<compile_context>
chip_gen: v7x
topology: tpu7x:2x2x1
jax: 0.10.2.dev20260603
libtpu: 0.0.44.dev20260713+nightly
codegen_flags: <defaults>
</compile_context>

<pallas_src>
import functools

import jax
import jax.numpy as jnp
from jax import lax
from jax.experimental import pallas as pl
from jax.experimental.pallas import tpu as pltpu
from jax.experimental.pallas import tpu_sc as plsc

_NC = 2
_NS = 16
_NW = _NC * _NS

_CHUNK = 40
_NBUF = 5


def _make_gather(V, D, B):
    b_per_w = B // _NW
    n_chunks = b_per_w // _CHUNK
    n_main = (n_chunks // _NBUF - 1) * _NBUF
    tail = n_chunks - n_main - _NBUF
    mesh = plsc.VectorSubcoreMesh(core_axis_name="c", subcore_axis_name="s")

    @functools.partial(
        pl.kernel,
        mesh=mesh,
        out_type=jax.ShapeDtypeStruct((B, D), jnp.float32),
        scratch_types=[
            pltpu.VMEM((n_chunks, _CHUNK), jnp.int32),
        ] + [pltpu.VMEM((_CHUNK, D), jnp.float32)] * _NBUF
          + [pltpu.SemaphoreType.DMA] * (2 * _NBUF),
    )
    def gather_kernel(table_hbm, idx_hbm, out_hbm, idx_v, *rest):
        bufs = rest[:_NBUF]
        gsems = rest[_NBUF:2 * _NBUF]
        ssems = rest[2 * _NBUF:]
        wid = lax.axis_index("s") * _NC + lax.axis_index("c")
        base = wid * b_per_w
        pltpu.sync_copy(idx_hbm.at[wid], idx_v)

        def gather_start(j, b):
            pltpu.async_copy(table_hbm.at[idx_v.at[j]], bufs[b], gsems[b])

        def gather_wait(b):
            pltpu.make_async_copy(
                table_hbm.at[idx_v.at[0]], bufs[b], gsems[b]).wait()

        def scatter_start(j, b):
            dst = out_hbm.at[pl.ds(base + j * _CHUNK, _CHUNK)]
            pltpu.async_copy(bufs[b], dst, ssems[b])

        def scatter_wait(b):
            dst = out_hbm.at[pl.ds(base, _CHUNK)]
            pltpu.make_async_copy(bufs[b], dst, ssems[b]).wait()

        for b in range(_NBUF):
            gather_start(b, b)

        def body(i, carry):
            g = _NBUF * i
            for b in range(_NBUF):
                gather_wait(b)
                scatter_start(g + b, b)
            for b in range(_NBUF):
                scatter_wait(b)
                gather_start(g + _NBUF + b, b)
            return carry

        lax.fori_loop(0, n_main // _NBUF, body, 0)

        g = n_main
        for b in range(_NBUF):
            gather_wait(b)
            scatter_start(g + b, b)
        for b in range(tail):
            scatter_wait(b)
            gather_start(g + _NBUF + b, b)
        for b in range(tail):
            gather_wait(b)
            scatter_start(g + _NBUF + b, b)
        for b in range(_NBUF):
            scatter_wait(b)

    return gather_kernel


def kernel(tensor, idx):
    V, D = tensor.shape
    (B,) = idx.shape
    b_per_w = B // _NW
    idx3 = idx.reshape(_NW, b_per_w // _CHUNK, _CHUNK)
    return _make_gather(V, D, B)(tensor, idx3)

# --- scband reference (transcript-rebuilt; emitter-appended) ---
"""Pipeline reference for scband-selector-21981642621065 (READ-ONLY COPY).

The authoritative reference and input builder live on the scoring server;
editing this copy changes nothing except your own understanding.
"""

import jax, jax.numpy as jnp
import numpy as np

N_NODES = 10000
N_EDGES = 160000
D_FEAT = 256


def setup_inputs(seed: int = 0) -> dict:
    key = jax.random.key(seed)
    k1, k2 = jax.random.split(key)
    tensor = jax.random.normal(k1, (N_NODES, D_FEAT), dtype=jnp.float32)
    idx = jax.random.randint(k2, (N_EDGES,), 0, N_NODES, dtype=jnp.int32)
    return {"tensor": tensor, "idx": idx}


def reference(tensor, idx):
    # EASIER Selector.forward(tensor) == tensor[self.idx]
    # A pure gather along the leading (node) dimension, producing one row
    # of features per edge endpoint index.
    return jnp.take(tensor, idx, axis=0)

if __name__ == "__main__":
    import jax
    _d = setup_inputs()
    print(jax.jit(kernel)(*tuple(_d.values())))

</pallas_src>

<mosaic_0001>
#map = affine_map<(d0, d1) -> (0, 0)>
#map1 = affine_map<(d0, d1) -> (0, 0, 0)>
module attributes {stable_mosaic.version = 14 : i64} {
  func.func @gather_kernel(%arg0: i32, %arg1: i32, %arg2: memref<10000x256xf32, #tpu.memory_space<hbm>>, %arg3: memref<32x125x40xi32, #tpu.memory_space<hbm>>, %arg4: memref<160000x256xf32, #tpu.memory_space<hbm>>, %arg5: memref<125x40xi32, #tpu.memory_space<vmem>>, %arg6: memref<40x256xf32, #tpu.memory_space<vmem>>, %arg7: memref<40x256xf32, #tpu.memory_space<vmem>>, %arg8: memref<40x256xf32, #tpu.memory_space<vmem>>, %arg9: memref<40x256xf32, #tpu.memory_space<vmem>>, %arg10: memref<40x256xf32, #tpu.memory_space<vmem>>, %arg11: memref<!tpu.dma_semaphore, #tpu.memory_space<semaphore_mem>>, %arg12: memref<!tpu.dma_semaphore, #tpu.memory_space<semaphore_mem>>, %arg13: memref<!tpu.dma_semaphore, #tpu.memory_space<semaphore_mem>>, %arg14: memref<!tpu.dma_semaphore, #tpu.memory_space<semaphore_mem>>, %arg15: memref<!tpu.dma_semaphore, #tpu.memory_space<semaphore_mem>>, %arg16: memref<!tpu.dma_semaphore, #tpu.memory_space<semaphore_mem>>, %arg17: memref<!tpu.dma_semaphore, #tpu.memory_space<semaphore_mem>>, %arg18: memref<!tpu.dma_semaphore, #tpu.memory_space<semaphore_mem>>, %arg19: memref<!tpu.dma_semaphore, #tpu.memory_space<semaphore_mem>>, %arg20: memref<!tpu.dma_semaphore, #tpu.memory_space<semaphore_mem>>) attributes {dimension_semantics = [#tpu.dimension_semantics<core_parallel>, #tpu.dimension_semantics<subcore_parallel>], iteration_bounds = array<i64: 2, 16>, scalar_prefetch = 0 : i64, scratch_operands = 16 : i64, tpu.core_type = #tpu.core_type<sc_vector_subcore>, window_params = [{transform_indices = #map}, {transform_indices = #map1}, {transform_indices = #map}]} {
    %mul3A = arith.constant 2 : i32
    %mul3A_0 = arith.muli %arg1, %mul3A : i32
    %add3A = arith.addi %mul3A_0, %arg0 : i32
    %mul3A_1 = arith.constant 5000 : i32
    %mul3A_2 = arith.muli %add3A, %mul3A_1 : i32
    "tpu.region"() ({
      %run_scoped3A = tpu.sem_alloc : memref<!tpu.dma_semaphore, #tpu.memory_space<semaphore_mem>>
      %dma_start3A_126 = arith.constant 0 : i32
      %dma_start3A_127 = arith.constant 0 : i32
      %dma_start3A_128 = tpu.memref_slice %arg3[%add3A, %dma_start3A_126, %dma_start3A_127] : memref<32x125x40xi32, #tpu.memory_space<hbm>> -> memref<1x125x40xi32, #tpu.memory_space<hbm>>
      %dma_start3A_129 = tpu.memref_squeeze %dma_start3A_128 : memref<1x125x40xi32, #tpu.memory_space<hbm>> -> memref<125x40xi32, #tpu.memory_space<hbm>>
      %dma_start3A_130 = arith.constant 0 : i32
      %dma_start3A_131 = arith.constant 0 : i32
      %dma_start3A_132 = tpu.memref_slice %arg3[%add3A, %dma_start3A_130, %dma_start3A_131] : memref<32x125x40xi32, #tpu.memory_space<hbm>> -> memref<1x125x40xi32, #tpu.memory_space<hbm>>
      %dma_start3A_133 = tpu.memref_squeeze %dma_start3A_132 : memref<1x125x40xi32, #tpu.memory_space<hbm>> -> memref<125x40xi32, #tpu.memory_space<hbm>>
      tpu.enqueue_dma source(%dma_start3A_133 : memref<125x40xi32, #tpu.memory_space<hbm>>) target(%arg5 : memref<125x40xi32, #tpu.memory_space<vmem>>) target_semaphore(%run_scoped3A : memref<!tpu.dma_semaphore, #tpu.memory_space<semaphore_mem>>)
      %dma_wait3A_134 = arith.constant 0 : i32
      %dma_wait3A_135 = arith.constant 0 : i32
      %dma_wait3A_136 = tpu.memref_slice %arg3[%add3A, %dma_wait3A_134, %dma_wait3A_135] : memref<32x125x40xi32, #tpu.memory_space<hbm>> -> memref<1x125x40xi32, #tpu.memory_space<hbm>>
      %dma_wait3A_137 = tpu.memref_squeeze %dma_wait3A_136 : memref<1x125x40xi32, #tpu.memory_space<hbm>> -> memref<125x40xi32, #tpu.memory_space<hbm>>
      %dma_wait3A_138 = arith.constant 0 : i32
      %dma_wait3A_139 = arith.constant 0 : i32
      %dma_wait3A_140 = tpu.memref_slice %arg3[%add3A, %dma_wait3A_138, %dma_wait3A_139] : memref<32x125x40xi32, #tpu.memory_space<hbm>> -> memref<1x125x40xi32, #tpu.memory_space<hbm>>
      %dma_wait3A_141 = tpu.memref_squeeze %dma_wait3A_140 : memref<1x125x40xi32, #tpu.memory_space<hbm>> -> memref<125x40xi32, #tpu.memory_space<hbm>>
      tpu.wait_dma2 semaphore(%run_scoped3A : memref<!tpu.dma_semaphore, #tpu.memory_space<semaphore_mem>>) src(%dma_wait3A_141 : memref<125x40xi32, #tpu.memory_space<hbm>>) dst(%arg5 : memref<125x40xi32, #tpu.memory_space<vmem>>)
      tpu.yield
    }) : () -> ()
    %dma_start3A = arith.constant 0 : i32
    %dma_start3A_3 = arith.constant 0 : i32
    %dma_start3A_4 = tpu.memref_slice %arg5[%dma_start3A, %dma_start3A_3] : memref<125x40xi32, #tpu.memory_space<vmem>> -> memref<1x40xi32, #tpu.memory_space<vmem>>
    %dma_start3A_5 = tpu.memref_squeeze %dma_start3A_4 : memref<1x40xi32, #tpu.memory_space<vmem>> -> memref<40xi32, #tpu.memory_space<vmem>>
    %dma_start3A_6 = arith.constant 0 : i32
    %dma_start3A_7 = arith.constant 0 : i32
    %dma_start3A_8 = tpu.memref_slice %arg2[%dma_start3A_6, %dma_start3A_7] : memref<10000x256xf32, #tpu.memory_space<hbm>> -> memref<10000x256xf32, #tpu.memory_space<hbm>>
    tpu.enqueue_indirect_dma source(%dma_start3A_8 : memref<10000x256xf32, #tpu.memory_space<hbm>>) target(%arg6 : memref<40x256xf32, #tpu.memory_space<vmem>>) offsets(%dma_start3A_5 : memref<40xi32, #tpu.memory_space<vmem>>) semaphore(%arg11 : memref<!tpu.dma_semaphore, #tpu.memory_space<semaphore_mem>>)
    %dma_start3A_9 = arith.constant 1 : i32
    %dma_start3A_10 = arith.constant 0 : i32
    %dma_start3A_11 = tpu.memref_slice %arg5[%dma_start3A_9, %dma_start3A_10] : memref<125x40xi32, #tpu.memory_space<vmem>> -> memref<1x40xi32, #tpu.memory_space<vmem>>
    %dma_start3A_12 = tpu.memref_squeeze %dma_start3A_11 : memref<1x40xi32, #tpu.memory_space<vmem>> -> memref<40xi32, #tpu.memory_space<vmem>>
    %dma_start3A_13 = arith.constant 0 : i32
    %dma_start3A_14 = arith.constant 0 : i32
    %dma_start3A_15 = tpu.memref_slice %arg2[%dma_start3A_13, %dma_start3A_14] : memref<10000x256xf32, #tpu.memory_space<hbm>> -> memref<10000x256xf32, #tpu.memory_space<hbm>>
    tpu.enqueue_indirect_dma source(%dma_start3A_15 : memref<10000x256xf32, #tpu.memory_space<hbm>>) target(%arg7 : memref<40x256xf32, #tpu.memory_space<vmem>>) offsets(%dma_start3A_12 : memref<40xi32, #tpu.memory_space<vmem>>) semaphore(%arg12 : memref<!tpu.dma_semaphore, #tpu.memory_space<semaphore_mem>>)
    %dma_start3A_16 = arith.constant 2 : i32
    %dma_start3A_17 = arith.constant 0 : i32
    %dma_start3A_18 = tpu.memref_slice %arg5[%dma_start3A_16, %dma_start3A_17] : memref<125x40xi32, #tpu.memory_space<vmem>> -> memref<1x40xi32, #tpu.memory_space<vmem>>
    %dma_start3A_19 = tpu.memref_squeeze %dma_start3A_18 : memref<1x40xi32, #tpu.memory_space<vmem>> -> memref<40xi32, #tpu.memory_space<vmem>>
    %dma_start3A_20 = arith.constant 0 : i32
    %dma_start3A_21 = arith.constant 0 : i32
    %dma_start3A_22 = tpu.memref_slice %arg2[%dma_start3A_20, %dma_start3A_21] : memref<10000x256xf32, #tpu.memory_space<hbm>> -> memref<10000x256xf32, #tpu.memory_space<hbm>>
    tpu.enqueue_indirect_dma source(%dma_start3A_22 : memref<10000x256xf32, #tpu.memory_space<hbm>>) target(%arg8 : memref<40x256xf32, #tpu.memory_space<vmem>>) offsets(%dma_start3A_19 : memref<40xi32, #tpu.memory_space<vmem>>) semaphore(%arg13 : memref<!tpu.dma_semaphore, #tpu.memory_space<semaphore_mem>>)
    %dma_start3A_23 = arith.constant 3 : i32
    %dma_start3A_24 = arith.constant 0 : i32
    %dma_start3A_25 = tpu.memref_slice %arg5[%dma_start3A_23, %dma_start3A_24] : memref<125x40xi32, #tpu.memory_space<vmem>> -> memref<1x40xi32, #tpu.memory_space<vmem>>
    %dma_start3A_26 = tpu.memref_squeeze %dma_start3A_25 : memref<1x40xi32, #tpu.memory_space<vmem>> -> memref<40xi32, #tpu.memory_space<vmem>>
    %dma_start3A_27 = arith.constant 0 : i32
    %dma_start3A_28 = arith.constant 0 : i32
    %dma_start3A_29 = tpu.memref_slice %arg2[%dma_start3A_27, %dma_start3A_28] : memref<10000x256xf32, #tpu.memory_space<hbm>> -> memref<10000x256xf32, #tpu.memory_space<hbm>>
    tpu.enqueue_indirect_dma source(%dma_start3A_29 : memref<10000x256xf32, #tpu.memory_space<hbm>>) target(%arg9 : memref<40x256xf32, #tpu.memory_space<vmem>>) offsets(%dma_start3A_26 : memref<40xi32, #tpu.memory_space<vmem>>) semaphore(%arg14 : memref<!tpu.dma_semaphore, #tpu.memory_space<semaphore_mem>>)
    %dma_start3A_30 = arith.constant 4 : i32
    %dma_start3A_31 = arith.constant 0 : i32
    %dma_start3A_32 = tpu.memref_slice %arg5[%dma_start3A_30, %dma_start3A_31] : memref<125x40xi32, #tpu.memory_space<vmem>> -> memref<1x40xi32, #tpu.memory_space<vmem>>
    %dma_start3A_33 = tpu.memref_squeeze %dma_start3A_32 : memref<1x40xi32, #tpu.memory_space<vmem>> -> memref<40xi32, #tpu.memory_space<vmem>>
    %dma_start3A_34 = arith.constant 0 : i32
    %dma_start3A_35 = arith.constant 0 : i32
    %dma_start3A_36 = tpu.memref_slice %arg2[%dma_start3A_34, %dma_start3A_35] : memref<10000x256xf32, #tpu.memory_space<hbm>> -> memref<10000x256xf32, #tpu.memory_space<hbm>>
    tpu.enqueue_indirect_dma source(%dma_start3A_36 : memref<10000x256xf32, #tpu.memory_space<hbm>>) target(%arg10 : memref<40x256xf32, #tpu.memory_space<vmem>>) offsets(%dma_start3A_33 : memref<40xi32, #tpu.memory_space<vmem>>) semaphore(%arg15 : memref<!tpu.dma_semaphore, #tpu.memory_space<semaphore_mem>>)
    %scan3A = arith.constant 0 : i32
    %scan3A_37 = arith.constant 0 : i32
    %scan3A_38 = arith.constant 24 : i32
    %scan3A_39 = arith.addi %scan3A_37, %scan3A_38 : i32
    %scan3A_40 = arith.constant 1 : i32
    scf.for %scan3A_126 = %scan3A_37 to %scan3A_39 step %scan3A_40  : i32 {
      %mul3A_127 = arith.constant 5 : i32
      %mul3A_128 = arith.muli %mul3A_127, %scan3A_126 : i32
      %dma_wait3A_129 = arith.constant 0 : i32
      %dma_wait3A_130 = arith.constant 0 : i32
      %dma_wait3A_131 = tpu.memref_slice %arg5[%dma_wait3A_129, %dma_wait3A_130] : memref<125x40xi32, #tpu.memory_space<vmem>> -> memref<1x40xi32, #tpu.memory_space<vmem>>
      %dma_wait3A_132 = tpu.memref_squeeze %dma_wait3A_131 : memref<1x40xi32, #tpu.memory_space<vmem>> -> memref<40xi32, #tpu.memory_space<vmem>>
      %dma_wait3A_133 = arith.constant 0 : i32
      %dma_wait3A_134 = arith.constant 0 : i32
      %dma_wait3A_135 = tpu.memref_slice %arg2[%dma_wait3A_133, %dma_wait3A_134] : memref<10000x256xf32, #tpu.memory_space<hbm>> -> memref<10000x256xf32, #tpu.memory_space<hbm>>
      tpu.wait_indirect_dma semaphore(%arg11 : memref<!tpu.dma_semaphore, #tpu.memory_space<semaphore_mem>>) src(%dma_wait3A_135 : memref<10000x256xf32, #tpu.memory_space<hbm>>) dst(%arg6 : memref<40x256xf32, #tpu.memory_space<vmem>>)
      %add3A_136 = arith.constant 0 : i32
      %add3A_137 = arith.addi %mul3A_128, %add3A_136 : i32
      %mul3A_138 = arith.constant 40 : i32
      %mul3A_139 = arith.muli %add3A_137, %mul3A_138 : i32
      %add3A_140 = arith.addi %mul3A_2, %mul3A_139 : i32
      %dma_start3A_141 = arith.constant 0 : i32
      %dma_start3A_142 = tpu.memref_slice %arg4[%add3A_140, %dma_start3A_141] : memref<160000x256xf32, #tpu.memory_space<hbm>> -> memref<40x256xf32, #tpu.memory_space<hbm>>
      %dma_start3A_143 = arith.constant 0 : i32
      %dma_start3A_144 = tpu.memref_slice %arg4[%add3A_140, %dma_start3A_143] : memref<160000x256xf32, #tpu.memory_space<hbm>> -> memref<40x256xf32, #tpu.memory_space<hbm>>
      tpu.enqueue_dma source(%arg6 : memref<40x256xf32, #tpu.memory_space<vmem>>) target(%dma_start3A_144 : memref<40x256xf32, #tpu.memory_space<hbm>>) target_semaphore(%arg16 : memref<!tpu.dma_semaphore, #tpu.memory_space<semaphore_mem>>)
      %dma_wait3A_145 = arith.constant 0 : i32
      %dma_wait3A_146 = arith.constant 0 : i32
      %dma_wait3A_147 = tpu.memref_slice %arg5[%dma_wait3A_145, %dma_wait3A_146] : memref<125x40xi32, #tpu.memory_space<vmem>> -> memref<1x40xi32, #tpu.memory_space<vmem>>
      %dma_wait3A_148 = tpu.memref_squeeze %dma_wait3A_147 : memref<1x40xi32, #tpu.memory_space<vmem>> -> memref<40xi32, #tpu.memory_space<vmem>>
      %dma_wait3A_149 = arith.constant 0 : i32
      %dma_wait3A_150 = arith.constant 0 : i32
      %dma_wait3A_151 = tpu.memref_slice %arg2[%dma_wait3A_149, %dma_wait3A_150] : memref<10000x256xf32, #tpu.memory_space<hbm>> -> memref<10000x256xf32, #tpu.memory_space<hbm>>
      tpu.wait_indirect_dma semaphore(%arg12 : memref<!tpu.dma_semaphore, #tpu.memory_space<semaphore_mem>>) src(%dma_wait3A_151 : memref<10000x256xf32, #tpu.memory_space<hbm>>) dst(%arg7 : memref<40x256xf32, #tpu.memory_space<vmem>>)
      %add3A_152 = arith.constant 1 : i32
      %add3A_153 = arith.addi %mul3A_128, %add3A_152 : i32
      %mul3A_154 = arith.constant 40 : i32
      %mul3A_155 = arith.muli %add3A_153, %mul3A_154 : i32
      %add3A_156 = arith.addi %mul3A_2, %mul3A_155 : i32
      %dma_start3A_157 = arith.constant 0 : i32
      %dma_start3A_158 = tpu.memref_slice %arg4[%add3A_156, %dma_start3A_157] : memref<160000x256xf32, #tpu.memory_space<hbm>> -> memref<40x256xf32, #tpu.memory_space<hbm>>
      %dma_start3A_159 = arith.constant 0 : i32
      %dma_start3A_160 = tpu.memref_slice %arg4[%add3A_156, %dma_start3A_159] : memref<160000x256xf32, #tpu.memory_space<hbm>> -> memref<40x256xf32, #tpu.memory_space<hbm>>
      tpu.enqueue_dma source(%arg7 : memref<40x256xf32, #tpu.memory_space<vmem>>) target(%dma_start3A_160 : memref<40x256xf32, #tpu.memory_space<hbm>>) target_semaphore(%arg17 : memref<!tpu.dma_semaphore, #tpu.memory_space<semaphore_mem>>)
      %dma_wait3A_161 = arith.constant 0 : i32
      %dma_wait3A_162 = arith.constant 0 : i32
      %dma_wait3A_163 = tpu.memref_slice %arg5[%dma_wait3A_161, %dma_wait3A_162] : memref<125x40xi32, #tpu.memory_space<vmem>> -> memref<1x40xi32, #tpu.memory_space<vmem>>
      %dma_wait3A_164 = tpu.memref_squeeze %dma_wait3A_163 : memref<1x40xi32, #tpu.memory_space<vmem>> -> memref<40xi32, #tpu.memory_space<vmem>>
      %dma_wait3A_165 = arith.constant 0 : i32
      %dma_wait3A_166 = arith.constant 0 : i32
      %dma_wait3A_167 = tpu.memref_slice %arg2[%dma_wait3A_165, %dma_wait3A_166] : memref<10000x256xf32, #tpu.memory_space<hbm>> -> memref<10000x256xf32, #tpu.memory_space<hbm>>
      tpu.wait_indirect_dma semaphore(%arg13 : memref<!tpu.dma_semaphore, #tpu.memory_space<semaphore_mem>>) src(%dma_wait3A_167 : memref<10000x256xf32, #tpu.memory_space<hbm>>) dst(%arg8 : memref<40x256xf32, #tpu.memory_space<vmem>>)
      %add3A_168 = arith.constant 2 : i32
      %add3A_169 = arith.addi %mul3A_128, %add3A_168 : i32
      %mul3A_170 = arith.constant 40 : i32
      %mul3A_171 = arith.muli %add3A_169, %mul3A_170 : i32
      %add3A_172 = arith.addi %mul3A_2, %mul3A_171 : i32
      %dma_start3A_173 = arith.constant 0 : i32
      %dma_start3A_174 = tpu.memref_slice %arg4[%add3A_172, %dma_start3A_173] : memref<160000x256xf32, #tpu.memory_space<hbm>> -> memref<40x256xf32, #tpu.memory_space<hbm>>
      %dma_start3A_175 = arith.constant 0 : i32
      %dma_start3A_176 = tpu.memref_slice %arg4[%add3A_172, %dma_start3A_175] : memref<160000x256xf32, #tpu.memory_space<hbm>> -> memref<40x256xf32, #tpu.memory_space<hbm>>
      tpu.enqueue_dma source(%arg8 : memref<40x256xf32, #tpu.memory_space<vmem>>) target(%dma_start3A_176 : memref<40x256xf32, #tpu.memory_space<hbm>>) target_semaphore(%arg18 : memref<!tpu.dma_semaphore, #tpu.memory_space<semaphore_mem>>)
      %dma_wait3A_177 = arith.constant 0 : i32
      %dma_wait3A_178 = arith.constant 0 : i32
      %dma_wait3A_179 = tpu.memref_slice %arg5[%dma_wait3A_177, %dma_wait3A_178] : memref<125x40xi32, #tpu.memory_space<vmem>> -> memref<1x40xi32, #tpu.memory_space<vmem>>
      %dma_wait3A_180 = tpu.memref_squeeze %dma_wait3A_179 : memref<1x40xi32, #tpu.memory_space<vmem>> -> memref<40xi32, #tpu.memory_space<vmem>>
      %dma_wait3A_181 = arith.constant 0 : i32
      %dma_wait3A_182 = arith.constant 0 : i32
      %dma_wait3A_183 = tpu.memref_slice %arg2[%dma_wait3A_181, %dma_wait3A_182] : memref<10000x256xf32, #tpu.memory_space<hbm>> -> memref<10000x256xf32, #tpu.memory_space<hbm>>
      tpu.wait_indirect_dma semaphore(%arg14 : memref<!tpu.dma_semaphore, #tpu.memory_space<semaphore_mem>>) src(%dma_wait3A_183 : memref<10000x256xf32, #tpu.memory_space<hbm>>) dst(%arg9 : memref<40x256xf32, #tpu.memory_space<vmem>>)
      %add3A_184 = arith.constant 3 : i32
      %add3A_185 = arith.addi %mul3A_128, %add3A_184 : i32
      %mul3A_186 = arith.constant 40 : i32
      %mul3A_187 = arith.muli %add3A_185, %mul3A_186 : i32
      %add3A_188 = arith.addi %mul3A_2, %mul3A_187 : i32
      %dma_start3A_189 = arith.constant 0 : i32
      %dma_start3A_190 = tpu.memref_slice %arg4[%add3A_188, %dma_start3A_189] : memref<160000x256xf32, #tpu.memory_space<hbm>> -> memref<40x256xf32, #tpu.memory_space<hbm>>
      %dma_start3A_191 = arith.constant 0 : i32
      %dma_start3A_192 = tpu.memref_slice %arg4[%add3A_188, %dma_start3A_191] : memref<160000x256xf32, #tpu.memory_space<hbm>> -> memref<40x256xf32, #tpu.memory_space<hbm>>
      tpu.enqueue_dma source(%arg9 : memref<40x256xf32, #tpu.memory_space<vmem>>) target(%dma_start3A_192 : memref<40x256xf32, #tpu.memory_space<hbm>>) target_semaphore(%arg19 : memref<!tpu.dma_semaphore, #tpu.memory_space<semaphore_mem>>)
      %dma_wait3A_193 = arith.constant 0 : i32
      %dma_wait3A_194 = arith.constant 0 : i32
      %dma_wait3A_195 = tpu.memref_slice %arg5[%dma_wait3A_193, %dma_wait3A_194] : memref<125x40xi32, #tpu.memory_space<vmem>> -> memref<1x40xi32, #tpu.memory_space<vmem>>
      %dma_wait3A_196 = tpu.memref_squeeze %dma_wait3A_195 : memref<1x40xi32, #tpu.memory_space<vmem>> -> memref<40xi32, #tpu.memory_space<vmem>>
      %dma_wait3A_197 = arith.constant 0 : i32
      %dma_wait3A_198 = arith.constant 0 : i32
      %dma_wait3A_199 = tpu.memref_slice %arg2[%dma_wait3A_197, %dma_wait3A_198] : memref<10000x256xf32, #tpu.memory_space<hbm>> -> memref<10000x256xf32, #tpu.memory_space<hbm>>
      tpu.wait_indirect_dma semaphore(%arg15 : memref<!tpu.dma_semaphore, #tpu.memory_space<semaphore_mem>>) src(%dma_wait3A_199 : memref<10000x256xf32, #tpu.memory_space<hbm>>) dst(%arg10 : memref<40x256xf32, #tpu.memory_space<vmem>>)
      %add3A_200 = arith.constant 4 : i32
      %add3A_201 = arith.addi %mul3A_128, %add3A_200 : i32
      %mul3A_202 = arith.constant 40 : i32
      %mul3A_203 = arith.muli %add3A_201, %mul3A_202 : i32
      %add3A_204 = arith.addi %mul3A_2, %mul3A_203 : i32
      %dma_start3A_205 = arith.constant 0 : i32
      %dma_start3A_206 = tpu.memref_slice %arg4[%add3A_204, %dma_start3A_205] : memref<160000x256xf32, #tpu.memory_space<hbm>> -> memref<40x256xf32, #tpu.memory_space<hbm>>
      %dma_start3A_207 = arith.constant 0 : i32
      %dma_start3A_208 = tpu.memref_slice %arg4[%add3A_204, %dma_start3A_207] : memref<160000x256xf32, #tpu.memory_space<hbm>> -> memref<40x256xf32, #tpu.memory_space<hbm>>
      tpu.enqueue_dma source(%arg10 : memref<40x256xf32, #tpu.memory_space<vmem>>) target(%dma_start3A_208 : memref<40x256xf32, #tpu.memory_space<hbm>>) target_semaphore(%arg20 : memref<!tpu.dma_semaphore, #tpu.memory_space<semaphore_mem>>)
      %dma_wait3A_209 = arith.constant 0 : i32
      %dma_wait3A_210 = tpu.memref_slice %arg4[%mul3A_2, %dma_wait3A_209] : memref<160000x256xf32, #tpu.memory_space<hbm>> -> memref<40x256xf32, #tpu.memory_space<hbm>>
      %dma_wait3A_211 = arith.constant 0 : i32
      %dma_wait3A_212 = tpu.memref_slice %arg4[%mul3A_2, %dma_wait3A_211] : memref<160000x256xf32, #tpu.memory_space<hbm>> -> memref<40x256xf32, #tpu.memory_space<hbm>>
      tpu.wait_dma2 semaphore(%arg16 : memref<!tpu.dma_semaphore, #tpu.memory_space<semaphore_mem>>) src(%arg6 : memref<40x256xf32, #tpu.memory_space<vmem>>) dst(%dma_wait3A_212 : memref<40x256xf32, #tpu.memory_space<hbm>>)
      %add3A_213 = arith.constant 5 : i32
      %add3A_214 = arith.addi %mul3A_128, %add3A_213 : i32
      %add3A_215 = arith.constant 0 : i32
      %add3A_216 = arith.addi %add3A_214, %add3A_215 : i32
      %dma_start3A_217 = arith.constant 0 : i32
      %dma_start3A_218 = tpu.memref_slice %arg5[%add3A_216, %dma_start3A_217] : memref<125x40xi32, #tpu.memory_space<vmem>> -> memref<1x40xi32, #tpu.memory_space<vmem>>
      %dma_start3A_219 = tpu.memref_squeeze %dma_start3A_218 : memref<1x40xi32, #tpu.memory_space<vmem>> -> memref<40xi32, #tpu.memory_space<vmem>>
      %dma_start3A_220 = arith.constant 0 : i32
      %dma_start3A_221 = arith.constant 0 : i32
      %dma_start3A_222 = tpu.memref_slice %arg2[%dma_start3A_220, %dma_start3A_221] : memref<10000x256xf32, #tpu.memory_space<hbm>> -> memref<10000x256xf32, #tpu.memory_space<hbm>>
      tpu.enqueue_indirect_dma source(%dma_start3A_222 : memref<10000x256xf32, #tpu.memory_space<hbm>>) target(%arg6 : memref<40x256xf32, #tpu.memory_space<vmem>>) offsets(%dma_start3A_219 : memref<40xi32, #tpu.memory_space<vmem>>) semaphore(%arg11 : memref<!tpu.dma_semaphore, #tpu.memory_space<semaphore_mem>>)
      %dma_wait3A_223 = arith.constant 0 : i32
      %dma_wait3A_224 = tpu.memref_slice %arg4[%mul3A_2, %dma_wait3A_223] : memref<160000x256xf32, #tpu.memory_space<hbm>> -> memref<40x256xf32, #tpu.memory_space<hbm>>
      %dma_wait3A_225 = arith.constant 0 : i32
      %dma_wait3A_226 = tpu.memref_slice %arg4[%mul3A_2, %dma_wait3A_225] : memref<160000x256xf32, #tpu.memory_space<hbm>> -> memref<40x256xf32, #tpu.memory_space<hbm>>
      tpu.wait_dma2 semaphore(%arg17 : memref<!tpu.dma_semaphore, #tpu.memory_space<semaphore_mem>>) src(%arg7 : memref<40x256xf32, #tpu.memory_space<vmem>>) dst(%dma_wait3A_226 : memref<40x256xf32, #tpu.memory_space<hbm>>)
      %add3A_227 = arith.constant 5 : i32
      %add3A_228 = arith.addi %mul3A_128, %add3A_227 : i32
      %add3A_229 = arith.constant 1 : i32
      %add3A_230 = arith.addi %add3A_228, %add3A_229 : i32
      %dma_start3A_231 = arith.constant 0 : i32
      %dma_start3A_232 = tpu.memref_slice %arg5[%add3A_230, %dma_start3A_231] : memref<125x40xi32, #tpu.memory_space<vmem>> -> memref<1x40xi32, #tpu.memory_space<vmem>>
      %dma_start3A_233 = tpu.memref_squeeze %dma_start3A_232 : memref<1x40xi32, #tpu.memory_space<vmem>> -> memref<40xi32, #tpu.memory_space<vmem>>
      %dma_start3A_234 = arith.constant 0 : i32
      %dma_start3A_235 = arith.constant 0 : i32
      %dma_start3A_236 = tpu.memref_slice %arg2[%dma_start3A_234, %dma_start3A_235] : memref<10000x256xf32, #tpu.memory_space<hbm>> -> memref<10000x256xf32, #tpu.memory_space<hbm>>
      tpu.enqueue_indirect_dma source(%dma_start3A_236 : memref<10000x256xf32, #tpu.memory_space<hbm>>) target(%arg7 : memref<40x256xf32, #tpu.memory_space<vmem>>) offsets(%dma_start3A_233 : memref<40xi32, #tpu.memory_space<vmem>>) semaphore(%arg12 : memref<!tpu.dma_semaphore, #tpu.memory_space<semaphore_mem>>)
      %dma_wait3A_237 = arith.constant 0 : i32
      %dma_wait3A_238 = tpu.memref_slice %arg4[%mul3A_2, %dma_wait3A_237] : memref<160000x256xf32, #tpu.memory_space<hbm>> -> memref<40x256xf32, #tpu.memory_space<hbm>>
      %dma_wait3A_239 = arith.constant 0 : i32
      %dma_wait3A_240 = tpu.memref_slice %arg4[%mul3A_2, %dma_wait3A_239] : memref<160000x256xf32, #tpu.memory_space<hbm>> -> memref<40x256xf32, #tpu.memory_space<hbm>>
      tpu.wait_dma2 semaphore(%arg18 : memref<!tpu.dma_semaphore, #tpu.memory_space<semaphore_mem>>) src(%arg8 : memref<40x256xf32, #tpu.memory_space<vmem>>) dst(%dma_wait3A_240 : memref<40x256xf32, #tpu.memory_space<hbm>>)
      %add3A_241 = arith.constant 5 : i32
      %add3A_242 = arith.addi %mul3A_128, %add3A_241 : i32
      %add3A_243 = arith.constant 2 : i32
      %add3A_244 = arith.addi %add3A_242, %add3A_243 : i32
      %dma_start3A_245 = arith.constant 0 : i32
      %dma_start3A_246 = tpu.memref_slice %arg5[%add3A_244, %dma_start3A_245] : memref<125x40xi32, #tpu.memory_space<vmem>> -> memref<1x40xi32, #tpu.memory_space<vmem>>
      %dma_start3A_247 = tpu.memref_squeeze %dma_start3A_246 : memref<1x40xi32, #tpu.memory_space<vmem>> -> memref<40xi32, #tpu.memory_space<vmem>>
      %dma_start3A_248 = arith.constant 0 : i32
      %dma_start3A_249 = arith.constant 0 : i32
      %dma_start3A_250 = tpu.memref_slice %arg2[%dma_start3A_248, %dma_start3A_249] : memref<10000x256xf32, #tpu.memory_space<hbm>> -> memref<10000x256xf32, #tpu.memory_space<hbm>>
      tpu.enqueue_indirect_dma source(%dma_start3A_250 : memref<10000x256xf32, #tpu.memory_space<hbm>>) target(%arg8 : memref<40x256xf32, #tpu.memory_space<vmem>>) offsets(%dma_start3A_247 : memref<40xi32, #tpu.memory_space<vmem>>) semaphore(%arg13 : memref<!tpu.dma_semaphore, #tpu.memory_space<semaphore_mem>>)
      %dma_wait3A_251 = arith.constant 0 : i32
      %dma_wait3A_252 = tpu.memref_slice %arg4[%mul3A_2, %dma_wait3A_251] : memref<160000x256xf32, #tpu.memory_space<hbm>> -> memref<40x256xf32, #tpu.memory_space<hbm>>
      %dma_wait3A_253 = arith.constant 0 : i32
      %dma_wait3A_254 = tpu.memref_slice %arg4[%mul3A_2, %dma_wait3A_253] : memref<160000x256xf32, #tpu.memory_space<hbm>> -> memref<40x256xf32, #tpu.memory_space<hbm>>
      tpu.wait_dma2 semaphore(%arg19 : memref<!tpu.dma_semaphore, #tpu.memory_space<semaphore_mem>>) src(%arg9 : memref<40x256xf32, #tpu.memory_space<vmem>>) dst(%dma_wait3A_254 : memref<40x256xf32, #tpu.memory_space<hbm>>)
      %add3A_255 = arith.constant 5 : i32
      %add3A_256 = arith.addi %mul3A_128, %add3A_255 : i32
      %add3A_257 = arith.constant 3 : i32
      %add3A_258 = arith.addi %add3A_256, %add3A_257 : i32
      %dma_start3A_259 = arith.constant 0 : i32
      %dma_start3A_260 = tpu.memref_slice %arg5[%add3A_258, %dma_start3A_259] : memref<125x40xi32, #tpu.memory_space<vmem>> -> memref<1x40xi32, #tpu.memory_space<vmem>>
      %dma_start3A_261 = tpu.memref_squeeze %dma_start3A_260 : memref<1x40xi32, #tpu.memory_space<vmem>> -> memref<40xi32, #tpu.memory_space<vmem>>
      %dma_start3A_262 = arith.constant 0 : i32
      %dma_start3A_263 = arith.constant 0 : i32
      %dma_start3A_264 = tpu.memref_slice %arg2[%dma_start3A_262, %dma_start3A_263] : memref<10000x256xf32, #tpu.memory_space<hbm>> -> memref<10000x256xf32, #tpu.memory_space<hbm>>
      tpu.enqueue_indirect_dma source(%dma_start3A_264 : memref<10000x256xf32, #tpu.memory_space<hbm>>) target(%arg9 : memref<40x256xf32, #tpu.memory_space<vmem>>) offsets(%dma_start3A_261 : memref<40xi32, #tpu.memory_space<vmem>>) semaphore(%arg14 : memref<!tpu.dma_semaphore, #tpu.memory_space<semaphore_mem>>)
      %dma_wait3A_265 = arith.constant 0 : i32
      %dma_wait3A_266 = tpu.memref_slice %arg4[%mul3A_2, %dma_wait3A_265] : memref<160000x256xf32, #tpu.memory_space<hbm>> -> memref<40x256xf32, #tpu.memory_space<hbm>>
      %dma_wait3A_267 = arith.constant 0 : i32
      %dma_wait3A_268 = tpu.memref_slice %arg4[%mul3A_2, %dma_wait3A_267] : memref<160000x256xf32, #tpu.memory_space<hbm>> -> memref<40x256xf32, #tpu.memory_space<hbm>>
      tpu.wait_dma2 semaphore(%arg20 : memref<!tpu.dma_semaphore, #tpu.memory_space<semaphore_mem>>) src(%arg10 : memref<40x256xf32, #tpu.memory_space<vmem>>) dst(%dma_wait3A_268 : memref<40x256xf32, #tpu.memory_space<hbm>>)
      %add3A_269 = arith.constant 5 : i32
      %add3A_270 = arith.addi %mul3A_128, %add3A_269 : i32
      %add3A_271 = arith.constant 4 : i32
      %add3A_272 = arith.addi %add3A_270, %add3A_271 : i32
      %dma_start3A_273 = arith.constant 0 : i32
      %dma_start3A_274 = tpu.memref_slice %arg5[%add3A_272, %dma_start3A_273] : memref<125x40xi32, #tpu.memory_space<vmem>> -> memref<1x40xi32, #tpu.memory_space<vmem>>
      %dma_start3A_275 = tpu.memref_squeeze %dma_start3A_274 : memref<1x40xi32, #tpu.memory_space<vmem>> -> memref<40xi32, #tpu.memory_space<vmem>>
      %dma_start3A_276 = arith.constant 0 : i32
      %dma_start3A_277 = arith.constant 0 : i32
      %dma_start3A_278 = tpu.memref_slice %arg2[%dma_start3A_276, %dma_start3A_277] : memref<10000x256xf32, #tpu.memory_space<hbm>> -> memref<10000x256xf32, #tpu.memory_space<hbm>>
      tpu.enqueue_indirect_dma source(%dma_start3A_278 : memref<10000x256xf32, #tpu.memory_space<hbm>>) target(%arg10 : memref<40x256xf32, #tpu.memory_space<vmem>>) offsets(%dma_start3A_275 : memref<40xi32, #tpu.memory_space<vmem>>) semaphore(%arg15 : memref<!tpu.dma_semaphore, #tpu.memory_space<semaphore_mem>>)
    }
    %scan3A_41 = arith.constant 24 : i32
    %dma_wait3A = arith.constant 0 : i32
    %dma_wait3A_42 = arith.constant 0 : i32
    %dma_wait3A_43 = tpu.memref_slice %arg5[%dma_wait3A, %dma_wait3A_42] : memref<125x40xi32, #tpu.memory_space<vmem>> -> memref<1x40xi32, #tpu.memory_space<vmem>>
    %dma_wait3A_44 = tpu.memref_squeeze %dma_wait3A_43 : memref<1x40xi32, #tpu.memory_space<vmem>> -> memref<40xi32, #tpu.memory_space<vmem>>
    %dma_wait3A_45 = arith.constant 0 : i32
    %dma_wait3A_46 = arith.constant 0 : i32
    %dma_wait3A_47 = tpu.memref_slice %arg2[%dma_wait3A_45, %dma_wait3A_46] : memref<10000x256xf32, #tpu.memory_space<hbm>> -> memref<10000x256xf32, #tpu.memory_space<hbm>>
    tpu.wait_indirect_dma semaphore(%arg11 : memref<!tpu.dma_semaphore, #tpu.memory_space<semaphore_mem>>) src(%dma_wait3A_47 : memref<10000x256xf32, #tpu.memory_space<hbm>>) dst(%arg6 : memref<40x256xf32, #tpu.memory_space<vmem>>)
    %add3A_48 = arith.constant 4800 : i32
    %add3A_49 = arith.addi %mul3A_2, %add3A_48 : i32
    %dma_start3A_50 = arith.constant 0 : i32
    %dma_start3A_51 = tpu.memref_slice %arg4[%add3A_49, %dma_start3A_50] : memref<160000x256xf32, #tpu.memory_space<hbm>> -> memref<40x256xf32, #tpu.memory_space<hbm>>
    %dma_start3A_52 = arith.constant 0 : i32
    %dma_start3A_53 = tpu.memref_slice %arg4[%add3A_49, %dma_start3A_52] : memref<160000x256xf32, #tpu.memory_space<hbm>> -> memref<40x256xf32, #tpu.memory_space<hbm>>
    tpu.enqueue_dma source(%arg6 : memref<40x256xf32, #tpu.memory_space<vmem>>) target(%dma_start3A_53 : memref<40x256xf32, #tpu.memory_space<hbm>>) target_semaphore(%arg16 : memref<!tpu.dma_semaphore, #tpu.memory_space<semaphore_mem>>)
    %dma_wait3A_54 = arith.constant 0 : i32
    %dma_wait3A_55 = arith.constant 0 : i32
    %dma_wait3A_56 = tpu.memref_slice %arg5[%dma_wait3A_54, %dma_wait3A_55] : memref<125x40xi32, #tpu.memory_space<vmem>> -> memref<1x40xi32, #tpu.memory_space<vmem>>
    %dma_wait3A_57 = tpu.memref_squeeze %dma_wait3A_56 : memref<1x40xi32, #tpu.memory_space<vmem>> -> memref<40xi32, #tpu.memory_space<vmem>>
    %dma_wait3A_58 = arith.constant 0 : i32
    %dma_wait3A_59 = arith.constant 0 : i32
    %dma_wait3A_60 = tpu.memref_slice %arg2[%dma_wait3A_58, %dma_wait3A_59] : memref<10000x256xf32, #tpu.memory_space<hbm>> -> memref<10000x256xf32, #tpu.memory_space<hbm>>
    tpu.wait_indirect_dma semaphore(%arg12 : memref<!tpu.dma_semaphore, #tpu.memory_space<semaphore_mem>>) src(%dma_wait3A_60 : memref<10000x256xf32, #tpu.memory_space<hbm>>) dst(%arg7 : memref<40x256xf32, #tpu.memory_space<vmem>>)
    %add3A_61 = arith.constant 4840 : i32
    %add3A_62 = arith.addi %mul3A_2, %add3A_61 : i32
    %dma_start3A_63 = arith.constant 0 : i32
    %dma_start3A_64 = tpu.memref_slice %arg4[%add3A_62, %dma_start3A_63] : memref<160000x256xf32, #tpu.memory_space<hbm>> -> memref<40x256xf32, #tpu.memory_space<hbm>>
    %dma_start3A_65 = arith.constant 0 : i32
    %dma_start3A_66 = tpu.memref_slice %arg4[%add3A_62, %dma_start3A_65] : memref<160000x256xf32, #tpu.memory_space<hbm>> -> memref<40x256xf32, #tpu.memory_space<hbm>>
    tpu.enqueue_dma source(%arg7 : memref<40x256xf32, #tpu.memory_space<vmem>>) target(%dma_start3A_66 : memref<40x256xf32, #tpu.memory_space<hbm>>) target_semaphore(%arg17 : memref<!tpu.dma_semaphore, #tpu.memory_space<semaphore_mem>>)
    %dma_wait3A_67 = arith.constant 0 : i32
    %dma_wait3A_68 = arith.constant 0 : i32
    %dma_wait3A_69 = tpu.memref_slice %arg5[%dma_wait3A_67, %dma_wait3A_68] : memref<125x40xi32, #tpu.memory_space<vmem>> -> memref<1x40xi32, #tpu.memory_space<vmem>>
    %dma_wait3A_70 = tpu.memref_squeeze %dma_wait3A_69 : memref<1x40xi32, #tpu.memory_space<vmem>> -> memref<40xi32, #tpu.memory_space<vmem>>
    %dma_wait3A_71 = arith.constant 0 : i32
    %dma_wait3A_72 = arith.constant 0 : i32
    %dma_wait3A_73 = tpu.memref_slice %arg2[%dma_wait3A_71, %dma_wait3A_72] : memref<10000x256xf32, #tpu.memory_space<hbm>> -> memref<10000x256xf32, #tpu.memory_space<hbm>>
    tpu.wait_indirect_dma semaphore(%arg13 : memref<!tpu.dma_semaphore, #tpu.memory_space<semaphore_mem>>) src(%dma_wait3A_73 : memref<10000x256xf32, #tpu.memory_space<hbm>>) dst(%arg8 : memref<40x256xf32, #tpu.memory_space<vmem>>)
    %add3A_74 = arith.constant 4880 : i32
    %add3A_75 = arith.addi %mul3A_2, %add3A_74 : i32
    %dma_start3A_76 = arith.constant 0 : i32
    %dma_start3A_77 = tpu.memref_slice %arg4[%add3A_75, %dma_start3A_76] : memref<160000x256xf32, #tpu.memory_space<hbm>> -> memref<40x256xf32, #tpu.memory_space<hbm>>
    %dma_start3A_78 = arith.constant 0 : i32
    %dma_start3A_79 = tpu.memref_slice %arg4[%add3A_75, %dma_start3A_78] : memref<160000x256xf32, #tpu.memory_space<hbm>> -> memref<40x256xf32, #tpu.memory_space<hbm>>
    tpu.enqueue_dma source(%arg8 : memref<40x256xf32, #tpu.memory_space<vmem>>) target(%dma_start3A_79 : memref<40x256xf32, #tpu.memory_space<hbm>>) target_semaphore(%arg18 : memref<!tpu.dma_semaphore, #tpu.memory_space<semaphore_mem>>)
    %dma_wait3A_80 = arith.constant 0 : i32
    %dma_wait3A_81 = arith.constant 0 : i32
    %dma_wait3A_82 = tpu.memref_slice %arg5[%dma_wait3A_80, %dma_wait3A_81] : memref<125x40xi32, #tpu.memory_space<vmem>> -> memref<1x40xi32, #tpu.memory_space<vmem>>
    %dma_wait3A_83 = tpu.memref_squeeze %dma_wait3A_82 : memref<1x40xi32, #tpu.memory_space<vmem>> -> memref<40xi32, #tpu.memory_space<vmem>>
    %dma_wait3A_84 = arith.constant 0 : i32
    %dma_wait3A_85 = arith.constant 0 : i32
    %dma_wait3A_86 = tpu.memref_slice %arg2[%dma_wait3A_84, %dma_wait3A_85] : memref<10000x256xf32, #tpu.memory_space<hbm>> -> memref<10000x256xf32, #tpu.memory_space<hbm>>
    tpu.wait_indirect_dma semaphore(%arg14 : memref<!tpu.dma_semaphore, #tpu.memory_space<semaphore_mem>>) src(%dma_wait3A_86 : memref<10000x256xf32, #tpu.memory_space<hbm>>) dst(%arg9 : memref<40x256xf32, #tpu.memory_space<vmem>>)
    %add3A_87 = arith.constant 4920 : i32
    %add3A_88 = arith.addi %mul3A_2, %add3A_87 : i32
    %dma_start3A_89 = arith.constant 0 : i32
    %dma_start3A_90 = tpu.memref_slice %arg4[%add3A_88, %dma_start3A_89] : memref<160000x256xf32, #tpu.memory_space<hbm>> -> memref<40x256xf32, #tpu.memory_space<hbm>>
    %dma_start3A_91 = arith.constant 0 : i32
    %dma_start3A_92 = tpu.memref_slice %arg4[%add3A_88, %dma_start3A_91] : memref<160000x256xf32, #tpu.memory_space<hbm>> -> memref<40x256xf32, #tpu.memory_space<hbm>>
    tpu.enqueue_dma source(%arg9 : memref<40x256xf32, #tpu.memory_space<vmem>>) target(%dma_start3A_92 : memref<40x256xf32, #tpu.memory_space<hbm>>) target_semaphore(%arg19 : memref<!tpu.dma_semaphore, #tpu.memory_space<semaphore_mem>>)
    %dma_wait3A_93 = arith.constant 0 : i32
    %dma_wait3A_94 = arith.constant 0 : i32
    %dma_wait3A_95 = tpu.memref_slice %arg5[%dma_wait3A_93, %dma_wait3A_94] : memref<125x40xi32, #tpu.memory_space<vmem>> -> memref<1x40xi32, #tpu.memory_space<vmem>>
    %dma_wait3A_96 = tpu.memref_squeeze %dma_wait3A_95 : memref<1x40xi32, #tpu.memory_space<vmem>> -> memref<40xi32, #tpu.memory_space<vmem>>
    %dma_wait3A_97 = arith.constant 0 : i32
    %dma_wait3A_98 = arith.constant 0 : i32
    %dma_wait3A_99 = tpu.memref_slice %arg2[%dma_wait3A_97, %dma_wait3A_98] : memref<10000x256xf32, #tpu.memory_space<hbm>> -> memref<10000x256xf32, #tpu.memory_space<hbm>>
    tpu.wait_indirect_dma semaphore(%arg15 : memref<!tpu.dma_semaphore, #tpu.memory_space<semaphore_mem>>) src(%dma_wait3A_99 : memref<10000x256xf32, #tpu.memory_space<hbm>>) dst(%arg10 : memref<40x256xf32, #tpu.memory_space<vmem>>)
    %add3A_100 = arith.constant 4960 : i32
    %add3A_101 = arith.addi %mul3A_2, %add3A_100 : i32
    %dma_start3A_102 = arith.constant 0 : i32
    %dma_start3A_103 = tpu.memref_slice %arg4[%add3A_101, %dma_start3A_102] : memref<160000x256xf32, #tpu.memory_space<hbm>> -> memref<40x256xf32, #tpu.memory_space<hbm>>
    %dma_start3A_104 = arith.constant 0 : i32
    %dma_start3A_105 = tpu.memref_slice %arg4[%add3A_101, %dma_start3A_104] : memref<160000x256xf32, #tpu.memory_space<hbm>> -> memref<40x256xf32, #tpu.memory_space<hbm>>
    tpu.enqueue_dma source(%arg10 : memref<40x256xf32, #tpu.memory_space<vmem>>) target(%dma_start3A_105 : memref<40x256xf32, #tpu.memory_space<hbm>>) target_semaphore(%arg20 : memref<!tpu.dma_semaphore, #tpu.memory_space<semaphore_mem>>)
    %dma_wait3A_106 = arith.constant 0 : i32
    %dma_wait3A_107 = tpu.memref_slice %arg4[%mul3A_2, %dma_wait3A_106] : memref<160000x256xf32, #tpu.memory_space<hbm>> -> memref<40x256xf32, #tpu.memory_space<hbm>>
    %dma_wait3A_108 = arith.constant 0 : i32
    %dma_wait3A_109 = tpu.memref_slice %arg4[%mul3A_2, %dma_wait3A_108] : memref<160000x256xf32, #tpu.memory_space<hbm>> -> memref<40x256xf32, #tpu.memory_space<hbm>>
    tpu.wait_dma2 semaphore(%arg16 : memref<!tpu.dma_semaphore, #tpu.memory_space<semaphore_mem>>) src(%arg6 : memref<40x256xf32, #tpu.memory_space<vmem>>) dst(%dma_wait3A_109 : memref<40x256xf32, #tpu.memory_space<hbm>>)
    %dma_wait3A_110 = arith.constant 0 : i32
    %dma_wait3A_111 = tpu.memref_slice %arg4[%mul3A_2, %dma_wait3A_110] : memref<160000x256xf32, #tpu.memory_space<hbm>> -> memref<40x256xf32, #tpu.memory_space<hbm>>
    %dma_wait3A_112 = arith.constant 0 : i32
    %dma_wait3A_113 = tpu.memref_slice %arg4[%mul3A_2, %dma_wait3A_112] : memref<160000x256xf32, #tpu.memory_space<hbm>> -> memref<40x256xf32, #tpu.memory_space<hbm>>
    tpu.wait_dma2 semaphore(%arg17 : memref<!tpu.dma_semaphore, #tpu.memory_space<semaphore_mem>>) src(%arg7 : memref<40x256xf32, #tpu.memory_space<vmem>>) dst(%dma_wait3A_113 : memref<40x256xf32, #tpu.memory_space<hbm>>)
    %dma_wait3A_114 = arith.constant 0 : i32
    %dma_wait3A_115 = tpu.memref_slice %arg4[%mul3A_2, %dma_wait3A_114] : memref<160000x256xf32, #tpu.memory_space<hbm>> -> memref<40x256xf32, #tpu.memory_space<hbm>>
    %dma_wait3A_116 = arith.constant 0 : i32
    %dma_wait3A_117 = tpu.memref_slice %arg4[%mul3A_2, %dma_wait3A_116] : memref<160000x256xf32, #tpu.memory_space<hbm>> -> memref<40x256xf32, #tpu.memory_space<hbm>>
    tpu.wait_dma2 semaphore(%arg18 : memref<!tpu.dma_semaphore, #tpu.memory_space<semaphore_mem>>) src(%arg8 : memref<40x256xf32, #tpu.memory_space<vmem>>) dst(%dma_wait3A_117 : memref<40x256xf32, #tpu.memory_space<hbm>>)
    %dma_wait3A_118 = arith.constant 0 : i32
    %dma_wait3A_119 = tpu.memref_slice %arg4[%mul3A_2, %dma_wait3A_118] : memref<160000x256xf32, #tpu.memory_space<hbm>> -> memref<40x256xf32, #tpu.memory_space<hbm>>
    %dma_wait3A_120 = arith.constant 0 : i32
    %dma_wait3A_121 = tpu.memref_slice %arg4[%mul3A_2, %dma_wait3A_120] : memref<160000x256xf32, #tpu.memory_space<hbm>> -> memref<40x256xf32, #tpu.memory_space<hbm>>
    tpu.wait_dma2 semaphore(%arg19 : memref<!tpu.dma_semaphore, #tpu.memory_space<semaphore_mem>>) src(%arg9 : memref<40x256xf32, #tpu.memory_space<vmem>>) dst(%dma_wait3A_121 : memref<40x256xf32, #tpu.memory_space<hbm>>)
    %dma_wait3A_122 = arith.constant 0 : i32
    %dma_wait3A_123 = tpu.memref_slice %arg4[%mul3A_2, %dma_wait3A_122] : memref<160000x256xf32, #tpu.memory_space<hbm>> -> memref<40x256xf32, #tpu.memory_space<hbm>>
    %dma_wait3A_124 = arith.constant 0 : i32
    %dma_wait3A_125 = tpu.memref_slice %arg4[%mul3A_2, %dma_wait3A_124] : memref<160000x256xf32, #tpu.memory_space<hbm>> -> memref<40x256xf32, #tpu.memory_space<hbm>>
    tpu.wait_dma2 semaphore(%arg20 : memref<!tpu.dma_semaphore, #tpu.memory_space<semaphore_mem>>) src(%arg10 : memref<40x256xf32, #tpu.memory_space<vmem>>) dst(%dma_wait3A_125 : memref<40x256xf32, #tpu.memory_space<hbm>>)
    return
  }
}

</mosaic_0001>

<sc_bundles>
// kernel: kernel.3.cloned.1.call-start
scs
__scs_entry_jumppad:
0x0: {  	(pc) =	sbr.rel $0x88, $3  }
0x1: {  	(tag) =	ssettag $0x0;
	lr =	simm.s32 $0x1  }
0x2: {  	[smem:$0x3F9F] =	sst lr;
	_ =	strace $0xD0000000  }
0x3: {  	_ = 	snop  }
0x4: {  	_ = 	snop  }
0x5: {  	_ = 	snop  }
0x6: {  	_ = 	snop  }
0x7: {  	_ = 	snop  }
__scs_overlays_trampoline_lowered:
0x8: {  	[smem:$0x3FAE] =	sst s0  }
0x9: {  	[smem:$0x3FAF] =	sst s1  }
0xa: {  	[smem:$0x3FB0] =	sst s2  }
0xb: {  	[smem:$0x3FB1] =	sst s3  }
0xc: {  	[smem:$0x3FB2] =	sst s4  }
0xd: {  	[smem:$0x3FB3] =	sst s5  }
0xe: {  	[smem:$0x3FB4] =	sst s6  }
0xf: {  	[smem:$0x3FB5] =	sst s7  }
0x10: {  	[smem:$0x3FB6] =	sst s8  }
0x11: {  	[smem:$0x3FB7] =	sst s9;
	s0 =	simm.s32 @!p0 $0x0  }
0x12: {  	s1 =	sld [smem:$0x3F9D];
	s0 =	simm.s32 @p0 $0x1  }
0x13: {  	[smem:$0x3FB8] =	sst s0;
	s0 =	simm.s32 @!p1 $0x0  }
0x14: {  	s2 =	sld [smem:$0x3F9C];
	s0 =	simm.s32 @p1 $0x1  }
0x15: {  	[smem:$0x3FB9] =	sst s0;
	s0 =	simm.s32 @!p2 $0x0  }
0x16: {  	s3 =	sld [smem:$0x3FDB];
	s0 =	simm.s32 @p2 $0x1  }
0x17: {  	s4 =	simm.s32 $0x1BF5;
	[smem:$0x3FBB] =	sst s0  }
0x18: {  	s0 =	sld [smem:$0x3F9E];
	_ =	swait.ge [sflag:s4], $0x0  }
0x19: {  	s7 =	sld [smem:$0x3F9F]  }
0x1a: {  	s8 =	sadd.s32 $0xFFFFE003, lr  }
0x1b: {  	s9 =	sadd.s32 $0xFFFFFEF7, lr;
	s5 =	simm.s32 $0xFFFFFFFF;
	p2 =	slt.u32 s8, $0xFFFFF086  }
0x1c: {  	p1 =	slt.u32 s9, $0xF7A;
	s5 =	simm.s32 @!p2 $0x0  }
0x1d: {  	s5 =	simm.s32 @p1 $0x1;
	p0 =	seq.s32 s7, s2  }
0x1e: {  	s7 =	smul.u32 @!p0 $0xF7A, s2;
	p2 =	seq.s32 @!p0 s5, $0x0  }
0x1f: {  	s9 =	smul.u32 $0xF7A, s1;
	s8 =	simm.s32 @!p0 $0x1BF5;
	p2 =	por !p2, p0  }
0x20: {  	[sflag:s8] =	ssyncset.s32 @!p0 $0xFFFFF086;
	s6 =	sadd.s32 @!p0 s3, s7;
	s7 =	simm.s32 @!p0 $0x108  }
0x21: {  	s3 =	sadd.s32 s3, s9;
	s6 =	sadd.s32 @!p0 $0x88, s6;
	s7 =	simm.s32 @p2 $0x1082  }
0x22: {  	[simem:s7], [sflag:s8] =	dma.local @!p0 [hbm:s6], $0xF7A  }
0x23: {  	s9 =	sor.u32 $0xD0000000, s2;
	s6 =	simm.s32 $0x108;
	_ =	swait.ge @!p0 [sflag:s8], $0x0  }
0x24: {  	s3 =	sadd.s32 $0x88, s3;
	s6 =	simm.s32 @!p1 $0x1082;
	[sflag:s4] =	ssyncset.s32 $0xFFFFF086  }
0x25: {  	[simem:s6], [sflag:s4] =	dma.local [hbm:s3], $0xF7A  }
0x26: {  	[smem:$0x3F9F] =	sst s1;
	(tag) =	ssettag s2;
	_ =	strace s9  }
0x27: {  	s1 =	sld [smem:$0x3FAF]  }
0x28: {  	s2 =	sld [smem:$0x3FB0]  }
0x29: {  	s4 =	sld [smem:$0x3FB2]  }
0x2a: {  	p0 =	seq.s32 s5, $0x0;
	s5 =	sld [smem:$0x3FB3]  }
0x2b: {  	s6 =	sld [smem:$0x3FB4]  }
0x2c: {  	s7 =	sld [smem:$0x3FB5]  }
0x2d: {  	s3 =	simm.s32 $0x108;
	s8 =	sld [smem:$0x3FB6]  }
0x2e: {  	s3 =	simm.s32 @!p0 $0x1082;
	s9 =	sld [smem:$0x3FB7]  }
0x2f: {  	lr =	sadd.s32 s0, s3;
	s0 =	sld [smem:$0x3FAE]  }
0x30: {  	s3 =	sld [smem:$0x3FB1]  }
0x31: {  	[smem:$0x3FBA] =	sst s10  }
0x32: {  	s10 =	sld [smem:$0x3FB8];
	_ =	sdelay $0x3  }
0x33: {  	p0 =	seq.s32 s10, $0x1;
	s10 =	sld [smem:$0x3FBA];
	_ =	sdelay $0x3  }
0x34: {  	[smem:$0x3FBA] =	sst s10  }
0x35: {  	s10 =	sld [smem:$0x3FB9];
	_ =	sdelay $0x3  }
0x36: {  	p1 =	seq.s32 s10, $0x1;
	s10 =	sld [smem:$0x3FBA];
	_ =	sdelay $0x3  }
0x37: {  	[smem:$0x3FBA] =	sst s10  }
0x38: {  	s10 =	sld [smem:$0x3FBB]  }
0x39: {  	_ = 	snop;
	(pc) =	sbr.ind lr, $3  }
0x3a: {  	_ = 	snop  }
0x3b: {  	_ = 	snop  }
0x3c: {  	p2 =	seq.s32 s10, $0x1;
	s10 =	sld [smem:$0x3FBA]  }
0x3d: {  	_ =	shalt  }
0x3e: {  	_ =	shalt  }
0x3f: {  	_ =	shalt  }
0x40: {  	_ =	shalt  }
0x41: {  	_ =	shalt  }
0x42: {  	_ =	shalt  }
0x43: {  	_ =	shalt  }
0x44: {  	_ =	shalt  }
0x45: {  	_ =	shalt  }
0x46: {  	_ =	shalt  }
0x47: {  	_ =	shalt  }
0x48: {  	_ =	shalt  }
0x49: {  	_ =	shalt  }
0x4a: {  	_ =	shalt  }
0x4b: {  	_ =	shalt  }
0x4c: {  	_ =	shalt  }
0x4d: {  	_ =	shalt  }
0x4e: {  	_ =	shalt  }
0x4f: {  	_ =	shalt  }
0x50: {  	_ =	shalt  }
0x51: {  	_ =	shalt  }
0x52: {  	_ =	shalt  }
0x53: {  	_ =	shalt  }
0x54: {  	_ =	shalt  }
0x55: {  	_ =	shalt  }
0x56: {  	_ =	shalt  }
0x57: {  	_ =	shalt  }
0x58: {  	_ =	shalt  }
0x59: {  	_ =	shalt  }
0x5a: {  	_ =	shalt  }
0x5b: {  	_ =	shalt  }
0x5c: {  	_ =	shalt  }
0x5d: {  	_ =	shalt  }
0x5e: {  	_ =	shalt  }
0x5f: {  	_ =	shalt  }
0x60: {  	_ =	shalt  }
0x61: {  	_ =	shalt  }
0x62: {  	_ =	shalt  }
0x63: {  	_ =	shalt  }
0x64: {  	_ =	shalt  }
0x65: {  	_ =	shalt  }
0x66: {  	_ =	shalt  }
0x67: {  	_ =	shalt  }
0x68: {  	_ =	shalt  }
0x69: {  	_ =	shalt  }
0x6a: {  	_ =	shalt  }
0x6b: {  	_ =	shalt  }
0x6c: {  	_ =	shalt  }
0x6d: {  	_ =	shalt  }
0x6e: {  	_ =	shalt  }
0x6f: {  	_ =	shalt  }
0x70: {  	_ =	shalt  }
0x71: {  	_ =	shalt  }
0x72: {  	_ =	shalt  }
0x73: {  	_ =	shalt  }
0x74: {  	_ =	shalt  }
0x75: {  	_ =	shalt  }
0x76: {  	_ =	shalt  }
0x77: {  	_ =	shalt  }
0x78: {  	_ =	shalt  }
0x79: {  	_ =	shalt  }
0x7a: {  	_ =	shalt  }
0x7b: {  	_ =	shalt  }
0x7c: {  	_ =	shalt  }
0x7d: {  	_ =	shalt  }
0x7e: {  	_ =	shalt  }
0x7f: {  	_ =	shalt  }
0x80: {  	_ =	shalt  }
0x81: {  	_ =	shalt  }
0x82: {  	_ =	shalt  }
0x83: {  	_ =	shalt  }
0x84: {  	_ =	shalt  }
0x85: {  	_ =	shalt  }
0x86: {  	_ =	shalt  }
0x87: {  	_ =	shalt  }
.Lfunc_end0:
.L_simem_size_0:
called_computation_lowered:
.L_overlay_start_0:
0x88: {  	s2 =	sld [smem:$0x3FD9]  }
0x89: {  	s3 =	sld [smem:$0x3FFE];
	_ =	sdelay $0x1  }
0x8a: {  	s1 =	srdreg.scid  }
0x8b: {  	s0 =	sand.u32 $0x1, s1  }
0x8c: {  	s17 =	sshll.u32 s0, $0xA;
	s2 =	sadd.s32 s3, s2  }
0x8d: {  	s2 =	sadd.s32 s2, s17  }
0x8e: {  	[smem:$0x3FC6] =	sst s2  }
0x8f: {  	_ = 	snop  }
0x90: {  	s2 =	sld [smem:$0x3FC9]  }
0x91: {  	s18 =	sld [smem:$0x3FD0];
	(tm) =	ssettm $0x1  }
0x92: {  	s4 =	sld [smem:$0x3FFB];
	_ =	sdelay $0x3  }
0x93: {  	_ =	strace s4  }
0x94: {  	s4 =	sld [smem:$0x3FFC];
	_ =	sdelay $0x3  }
0x95: {  	_ =	strace s4  }
0x96: {  	s4 =	sld [smem:$0x3FFD];
	_ =	sdelay $0x3  }
0x97: {  	_ =	strace s4  }
0x98: {  	_ =	strace $0x8FFFFFFF  }
0x99: {  	s19 =	sld [smem:$0x3FDB];
	_ =	sdelay $0x1  }
0x9a: {  	s5 =	simm.s32 $_scs_section_size  }
0x9b: {  	s6 =	simm.s32 $_size__tile_overlayer_lowered;
	s7 =	simm.s32 $_tile_overlayer_lowered  }
0x9c: {  	s22 =	simm.s32 $0x1BFF;
	s21 =	sshll.u32 s7, $0x1;
	s4 =	sadd.s32 s5, s19  }
0x9d: {  	s8 =	simm.s32 $0x0;
	s20 =	sshll.u32 s6, $0x1;
	s6 =	sadd.s32 s21, s4  }
0x9e: {  	[timem:s8], [sflag:s22] =	dma.local [hbm:s6], s20  }
0x9f: {  	_ =	swait.ge [sflag:s22], s20  }
0xa0: {  	s5 =	ssub.s32 $0x0, s20;
	[sflag:s22] =	ssyncset.done $0x0  }
0xa1: {  	[sflag:s22] =	ssyncadd.s32 s5;
	_ =	sdelay $0x1  }
0xa2: {  	s23 =	simm.s32 $0x1B8B  }
0xa3: {  	_ =	swait.ge [sflag:s23], $0x1  }
0xa4: {  	[sflag:s23] =	ssyncset.done $0x0  }
0xa5: {  	s25 =	simm.s32 $0x1B8E;
	s24 =	sld [smem:$0x3FFE];
	[sflag:s23] =	ssyncadd.s32 $0xFFFFFFFF  }
0xa6: {  	s26 =	simm.s32 $execute0_lowered;
	[smem:$0x3FD2] =	sst s25  }
0xa7: {  	s6 =	sshll.u32 s26, $0x1;
	_ =	strace $0x80000046;
	[dreg:$0x1] =	wrdreg $0xFFFFFFFF  }
0xa8: {  	s28 =	simm.s32 $_size_execute0_lowered;
	s4 =	sadd.s32 s4, s6;
	[dreg:$0x0] =	wrdreg $0x0  }
0xa9: {  	s6 =	sshll.u32 s28, $0x1;
	[dreg:$0x2] =	wrdreg s4  }
0xaa: {  	[dreg:$0x3] =	wrdreg s6  }
0xab: {  	[dreg:$0x4] =	wrdreg $0xC0  }
0xac: {  	_ =	task [dreg:s8], $0x5FFFF  }
0xad: {  	[dreg:$0x1] =	wrdreg $0xFFFFFFFF  }
0xae: {  	[dreg:$0x0] =	wrdreg $0x60  }
0xaf: {  	[dreg:$0x2] =	wrdreg s2  }
0xb0: {  	[dreg:$0x3] =	wrdreg s24  }
0xb1: {  	[dreg:$0x4] =	wrdreg s18  }
0xb2: {  	[dreg:$0x5] =	wrdreg $0x9  }
0xb3: {  	_ =	task.clear_ibuf [dreg:s8], $0x6FFFF;
	_ =	strace $0x90000046  }
0xb4: {  	s29 =	simm.s32 $0x9;
	_ =	strace $0x80000048  }
0xb5: {  	_ =	swait.ge [sflag:s29], $0x1  }
0xb6: {  	[sflag:s29] =	ssyncadd.s32 $0xFFFFFFFF  }
0xb7: {  	_ =	strace $0x90000048  }
0xb8: {  	_ =	sfence  }
0xb9: {  	s30 =	sld [smem:$0x0];
	_ =	sdelay $0x2  }
0xba: {  	s31 =	sshll.u32 s1, $0xD;
	s1 =	sshrl.u32 s1, $0x2  }
0xbb: {  	s3 =	sand.u32 $0x4000, s31;
	s1 =	sadd.s32 s1, s30  }
0xbc: {  	s0 =	sor.u32 s3, s0;
	s1 =	sshll.u32 s1, $0x11  }
0xbd: {  	s0 =	sor.u32 s1, s0  }
0xbe: {  	s0 =	sadd.s32 $0x8F2B, s0  }
0xbf: {  	[sflag:s0] =	ssyncadd.remote.s32 $0x1  }
0xc0: {  	_ =	sfence.sel $0xFFFF  }
0xc1: {  	[dreg:$0x0] =	wrdreg $0xFFFFFFFF;
	(pc) =	sbr.abs _section_cstart, $3  }
0xc2: {  	[dreg:$0x1] =	wrdreg $0xFFFFFFFF  }
0xc3: {  	_ =	task.clear_ibuf [dreg:s8], $0x2FFFF;
	_ =	strace $0x9FFFFFFF  }
0xc4: {  	(tm) =	ssettm $0x7FFFFFFF  }
0xc5: {  	_ =	shalt  }
tec
execute0_lowered:
.L_overlay_start_1:
0x0: {  	(tag) =	ssettag $0x1  }
0x1: {  	s1 =	rddreg [dreg:$0x0]  }
0x2: {  	s0 =	rddreg [dreg:$0x1];
	s2 =	srdreg.scid  }
0x3: {  	s8 =	stileid.u32;
	s4 =	rddreg [dreg:$0x2]  }
0x4: {  	s3 =	simm.s32 $0x0;
	s29 =	simm.s32 $0x7800;
	s30 =	simm.s32 $0x8000  }
0x5: {  	s31 =	simm.s32 $0x8800;
	s28 =	simm.s32 $0xB800;
	s12 =	simm.s32 $0xC000  }
0x6: {  	s9 =	simm.s32 $0x2;
	s10 =	simm.s32 $0x3;
	s11 =	simm.s32 $0x4  }
0x7: {  	s13 =	simm.s32 $0x5;
	s14 =	simm.s32 $0x6;
	s15 =	simm.s32 $0x7  }
0x8: {  	s16 =	simm.s32 $0x8;
	s2 =	sand.u32 $0x1, s2;
	s5 =	sshll.u32 s8, $0x1  }
0x9: {  	[smem:$0x7FF] =	sst s3;
	s18 =	smul.u32 $0x4E200, s8;
	s8 =	simm.s32 $0x1  }
0xa: {  	s5 =	sor.u32 s2, s5;
	_ =	strace $0x80000047;
	s20 =	smul.u32 $0x27100, s2  }
0xb: {  	s7 =	ssub.s32 $0x2, s2;
	s2 =	simm.s32 $0x9000;
	s6 =	smul.u32 $0x138800, s5  }
0xc: {  	s5 =	sshll.u32 s5, $0xB;
	s17 =	sshrl.u32 s7, $0x1;
	s23 =	sadd.s32 s18, s4  }
0xd: {  	s18 =	simm.s32 $0x9;
	s0 =	sadd.s32 s5, s0;
	s5 =	ssub.s32 s7, s17  }
0xe: {  	s17 =	simm.s32 $0x4000;
	s7 =	simm.s32 $0xB000;
	s0 =	sadd.s32 $0x400, s0  }
0xf: {  	s6 =	sshrl.u32 s6, $0x3;
	s26 =	smax.u32 s5, $0x1;
	[dreg:$0x5] =	wrdreg s0  }
0x10: {  	s5 =	simm.s32 $0xA000;
	s0 =	sadd.s32 s20, s23;
	[dreg:$0xb] =	wrdreg s26  }
0x11: {  	s6 =	sadd.s32 s4, s6;
	s20 =	simm.s32 $0x0;
	[dreg:$0x4] =	wrdreg s0  }
0x12: {  	s23 =	simm.s32 $0x4800;
	s19 =	sadd.s32 $0x25800, s6;
	[dreg:$0xc] =	wrdreg s20  }
0x13: {  	s26 =	simm.s32 $0x7000;
	s21 =	sadd.s32 $0x25D00, s6;
	[dreg:$0x6] =	wrdreg s19  }
0x14: {  	s4 =	simm.s32 $0x9800;
	s22 =	sadd.s32 $0x26200, s6;
	[dreg:$0x7] =	wrdreg s21  }
0x15: {  	s24 =	sadd.s32 $0x26700, s6;
	s25 =	sadd.s32 $0x26C00, s6;
	[dreg:$0x8] =	wrdreg s22  }
0x16: {  	v2 =	vlaneseq.u32;
	s6 =	simm.s32 $0xA800;
	s0 =	simm.s32 $0xE000;
	[dreg:$0x9] =	wrdreg s24  }
0x17: {  	vm0 =	vmmov $0xffff;
	v1 =	vshrl.u32 v2, $0x3;
	[dreg:$0xa] =	wrdreg s25;
	s24 =	simm.s32 $0x5000;
	s21 =	simm.s32 $0x5800  }
0x18: {  	v0 =	vand.u32 $0x7, v2;
	v2 =	vor.u32 $0x8, v2;
	v1 =	vmul.u32 $0x8, v1;
	s25 =	simm.s32 $0x6000;
	s22 =	simm.s32 $0x6800;
	s19 =	simm.s32 $0xA  }
.LBB2_1:
0x19: {  	s20 =	rddreg [dreg:$0x5]  }
0x1a: {  	[tilespmem:s3], [sflag:$0xB] =	stream.linear.gather [hbm4b:s20+s3], $0x3E80, $0x38;
	[tilespmem:$0x10800] =	vst v63  }
0x1b: {  	s20 =	simm.s32 $0xB  }
0x1c: {  	_ =	swait.ge [sflag:s20], $0x3E80  }
0x1d: {  	[sflag:s20] =	ssyncset.done $0x0  }
0x1e: {  	[sflag:s20] =	ssyncadd.s32 $0xFFFFC180  }
0x1f: {  	v3 =	vld [tilespmem:$0x0];
	_ =	sdelay $0x4  }
0x20: {  	v4 =	vshll.u32 v3, $0x1  }
0x21: {  	v3 =	vand.u32 $0x7, v3;
	v4 =	vand.u32 $0xFFFFFFF0, v4  }
0x22: {  	v3 =	vor.u32 v3, v4  }
0x23: {  	v4 =	vperm.xlane v3, v0;
	_ =	sdelay $0x1  }
0x24: {  	v3 =	vperm.xlane v3, v2;
	v4 =	vadd.s32 v1, v4;
	_ =	sdelay $0x1  }
0x25: {  	v3 =	vadd.s32 v1, v3;
	_ =	sdelay $0x2  }
0x26: {  	[tilespmem:s17], [sflag:$0x1] =	stream.indirect_vreg.gather [hbm4b:s1+s3], $0x80, v4, vm0, $0xb8;
	[tilespmem:$0x10800] =	vst v63  }
0x27: {  	_ = 	snop  }
0x28: {  	[tilespmem:s23], [sflag:$0x1] =	stream.indirect_vreg.gather [hbm4b:s1+s3], $0x80, v3, vm0, $0xb8;
	[tilespmem:$0x10800] =	vst v63  }
0x29: {  	v3 =	vld [tilespmem:$0x10];
	_ =	sdelay $0x4  }
0x2a: {  	v50 =	vshll.u32 v3, $0x1  }
0x2b: {  	v3 =	vand.u32 $0x7, v3;
	v4 =	vand.u32 $0xFFFFFFF0, v50  }
0x2c: {  	v3 =	vor.u32 v3, v4  }
0x2d: {  	v4 =	vperm.xlane v3, v0;
	_ =	sdelay $0x1  }
0x2e: {  	v3 =	vperm.xlane v3, v2;
	v4 =	vadd.s32 v1, v4;
	_ =	sdelay $0x1  }
0x2f: {  	v3 =	vadd.s32 v1, v3;
	_ =	sdelay $0x2  }
0x30: {  	[tilespmem:s24], [sflag:$0x1] =	stream.indirect_vreg.gather [hbm4b:s1+s3], $0x80, v4, vm0, $0xb8;
	[tilespmem:$0x10800] =	vst v63  }
0x31: {  	_ = 	snop  }
0x32: {  	[tilespmem:s21], [sflag:$0x1] =	stream.indirect_vreg.gather [hbm4b:s1+s3], $0x80, v3, vm0, $0xb8;
	[tilespmem:$0x10800] =	vst v63  }
0x33: {  	v3 =	vld.msk [tilespmem:$0x20], $0xff;
	_ =	sdelay $0x4  }
0x34: {  	v51 =	vshll.u32 v3, $0x1  }
0x35: {  	v3 =	vand.u32 $0x7, v3;
	v4 =	vand.u32 $0xFFFFFFF0, v51  }
0x36: {  	v3 =	vor.u32 v3, v4  }
0x37: {  	v3 =	vperm.xlane v3, v0;
	_ =	sdelay $0x1  }
0x38: {  	v3 =	vadd.s32 v1, v3;
	_ =	sdelay $0x4  }
0x39: {  	[tilespmem:s25], [sflag:$0x1] =	stream.indirect_vreg.gather [hbm4b:s1+s3], $0x80, v3, vm0, $0xb8;
	[tilespmem:$0x10800] =	vst v63  }
0x3a: {  	v3 =	vld [tilespmem:$0x80];
	_ =	sdelay $0x4  }
0x3b: {  	v52 =	vshll.u32 v3, $0x1  }
0x3c: {  	v3 =	vand.u32 $0x7, v3;
	v4 =	vand.u32 $0xFFFFFFF0, v52  }
0x3d: {  	v3 =	vor.u32 v3, v4  }
0x3e: {  	v4 =	vperm.xlane v3, v0;
	_ =	sdelay $0x1  }
0x3f: {  	v3 =	vperm.xlane v3, v2;
	v4 =	vadd.s32 v1, v4;
	_ =	sdelay $0x1  }
0x40: {  	v3 =	vadd.s32 v1, v3;
	_ =	sdelay $0x2  }
0x41: {  	[tilespmem:s22], [sflag:$0x2] =	stream.indirect_vreg.gather [hbm4b:s1+s3], $0x80, v4, vm0, $0xb8;
	[tilespmem:$0x10800] =	vst v63  }
0x42: {  	_ = 	snop  }
0x43: {  	[tilespmem:s26], [sflag:$0x2] =	stream.indirect_vreg.gather [hbm4b:s1+s3], $0x80, v3, vm0, $0xb8;
	[tilespmem:$0x10800] =	vst v63  }
0x44: {  	v3 =	vld [tilespmem:$0x90];
	_ =	sdelay $0x4  }
0x45: {  	v53 =	vshll.u32 v3, $0x1  }
0x46: {  	v3 =	vand.u32 $0x7, v3;
	v4 =	vand.u32 $0xFFFFFFF0, v53  }
0x47: {  	v3 =	vor.u32 v3, v4  }
0x48: {  	v4 =	vperm.xlane v3, v0;
	_ =	sdelay $0x1  }
0x49: {  	v3 =	vperm.xlane v3, v2;
	v4 =	vadd.s32 v1, v4;
	_ =	sdelay $0x1  }
0x4a: {  	v3 =	vadd.s32 v1, v3;
	_ =	sdelay $0x2  }
0x4b: {  	[tilespmem:s29], [sflag:$0x2] =	stream.indirect_vreg.gather [hbm4b:s1+s3], $0x80, v4, vm0, $0xb8;
	[tilespmem:$0x10800] =	vst v63  }
0x4c: {  	_ = 	snop  }
0x4d: {  	[tilespmem:s30], [sflag:$0x2] =	stream.indirect_vreg.gather [hbm4b:s1+s3], $0x80, v3, vm0, $0xb8;
	[tilespmem:$0x10800] =	vst v63  }
0x4e: {  	v3 =	vld.msk [tilespmem:$0xA0], $0xff;
	_ =	sdelay $0x4  }
0x4f: {  	v54 =	vshll.u32 v3, $0x1  }
0x50: {  	v3 =	vand.u32 $0x7, v3;
	v4 =	vand.u32 $0xFFFFFFF0, v54  }
0x51: {  	v3 =	vor.u32 v3, v4  }
0x52: {  	v3 =	vperm.xlane v3, v0;
	_ =	sdelay $0x1  }
0x53: {  	v3 =	vadd.s32 v1, v3;
	_ =	sdelay $0x4  }
0x54: {  	[tilespmem:s31], [sflag:$0x2] =	stream.indirect_vreg.gather [hbm4b:s1+s3], $0x80, v3, vm0, $0xb8;
	[tilespmem:$0x10800] =	vst v63  }
0x55: {  	v3 =	vld [tilespmem:$0x100];
	_ =	sdelay $0x4  }
0x56: {  	v55 =	vshll.u32 v3, $0x1  }
0x57: {  	v3 =	vand.u32 $0x7, v3;
	v4 =	vand.u32 $0xFFFFFFF0, v55  }
0x58: {  	v3 =	vor.u32 v3, v4  }
0x59: {  	v4 =	vperm.xlane v3, v0;
	_ =	sdelay $0x1  }
0x5a: {  	v3 =	vperm.xlane v3, v2;
	v4 =	vadd.s32 v1, v4;
	_ =	sdelay $0x1  }
0x5b: {  	v3 =	vadd.s32 v1, v3;
	_ =	sdelay $0x2  }
0x5c: {  	[tilespmem:s2], [sflag:$0x3] =	stream.indirect_vreg.gather [hbm4b:s1+s3], $0x80, v4, vm0, $0xb8;
	[tilespmem:$0x10800] =	vst v63  }
0x5d: {  	_ = 	snop  }
0x5e: {  	[tilespmem:s4], [sflag:$0x3] =	stream.indirect_vreg.gather [hbm4b:s1+s3], $0x80, v3, vm0, $0xb8;
	[tilespmem:$0x10800] =	vst v63  }
0x5f: {  	v3 =	vld [tilespmem:$0x110];
	_ =	sdelay $0x4  }
0x60: {  	v56 =	vshll.u32 v3, $0x1  }
0x61: {  	v3 =	vand.u32 $0x7, v3;
	v4 =	vand.u32 $0xFFFFFFF0, v56  }
0x62: {  	v3 =	vor.u32 v3, v4  }
0x63: {  	v4 =	vperm.xlane v3, v0;
	_ =	sdelay $0x1  }
0x64: {  	v3 =	vperm.xlane v3, v2;
	v4 =	vadd.s32 v1, v4;
	_ =	sdelay $0x1  }
0x65: {  	v3 =	vadd.s32 v1, v3;
	_ =	sdelay $0x2  }
0x66: {  	[tilespmem:s5], [sflag:$0x3] =	stream.indirect_vreg.gather [hbm4b:s1+s3], $0x80, v4, vm0, $0xb8;
	[tilespmem:$0x10800] =	vst v63  }
0x67: {  	_ = 	snop  }
0x68: {  	[tilespmem:s6], [sflag:$0x3] =	stream.indirect_vreg.gather [hbm4b:s1+s3], $0x80, v3, vm0, $0xb8;
	[tilespmem:$0x10800] =	vst v63  }
0x69: {  	v3 =	vld.msk [tilespmem:$0x120], $0xff;
	_ =	sdelay $0x4  }
0x6a: {  	v57 =	vshll.u32 v3, $0x1  }
0x6b: {  	v3 =	vand.u32 $0x7, v3;
	v4 =	vand.u32 $0xFFFFFFF0, v57  }
0x6c: {  	v3 =	vor.u32 v3, v4  }
0x6d: {  	v3 =	vperm.xlane v3, v0;
	_ =	sdelay $0x1  }
0x6e: {  	v3 =	vadd.s32 v1, v3;
	_ =	sdelay $0x4  }
0x6f: {  	[tilespmem:s7], [sflag:$0x3] =	stream.indirect_vreg.gather [hbm4b:s1+s3], $0x80, v3, vm0, $0xb8;
	[tilespmem:$0x10800] =	vst v63  }
0x70: {  	v3 =	vld [tilespmem:$0x180];
	_ =	sdelay $0x4  }
0x71: {  	v58 =	vshll.u32 v3, $0x1  }
0x72: {  	v3 =	vand.u32 $0x7, v3;
	v4 =	vand.u32 $0xFFFFFFF0, v58  }
0x73: {  	v3 =	vor.u32 v3, v4  }
0x74: {  	v4 =	vperm.xlane v3, v0;
	_ =	sdelay $0x1  }
0x75: {  	v3 =	vperm.xlane v3, v2;
	v4 =	vadd.s32 v1, v4;
	_ =	sdelay $0x1  }
0x76: {  	v3 =	vadd.s32 v1, v3;
	_ =	sdelay $0x2  }
0x77: {  	[tilespmem:s28], [sflag:$0x4] =	stream.indirect_vreg.gather [hbm4b:s1+s3], $0x80, v4, vm0, $0xb8;
	[tilespmem:$0x10800] =	vst v63  }
0x78: {  	_ = 	snop  }
0x79: {  	[tilespmem:s12], [sflag:$0x4] =	stream.indirect_vreg.gather [hbm4b:s1+s3], $0x80, v3, vm0, $0xb8;
	[tilespmem:$0x10800] =	vst v63  }
0x7a: {  	v3 =	vld [tilespmem:$0x190];
	_ =	sdelay $0x4  }
0x7b: {  	v59 =	vshll.u32 v3, $0x1  }
0x7c: {  	v3 =	vand.u32 $0x7, v3;
	v4 =	vand.u32 $0xFFFFFFF0, v59  }
0x7d: {  	v3 =	vor.u32 v3, v4  }
0x7e: {  	v4 =	vperm.xlane v3, v0;
	_ =	sdelay $0x1  }
0x7f: {  	v3 =	vperm.xlane v3, v2;
	v4 =	vadd.s32 v1, v4;
	_ =	sdelay $0x1  }
0x80: {  	v3 =	vadd.s32 v1, v3;
	_ =	sdelay $0x1  }
0x81: {  	s21 =	simm.s32 $0xC800  }
0x82: {  	[tilespmem:s21], [sflag:$0x4] =	stream.indirect_vreg.gather [hbm4b:s1+s3], $0x80, v4, vm0, $0xb8;
	[tilespmem:$0x10800] =	vst v63  }
0x83: {  	s22 =	simm.s32 $0xD000  }
0x84: {  	[tilespmem:s22], [sflag:$0x4] =	stream.indirect_vreg.gather [hbm4b:s1+s3], $0x80, v3, vm0, $0xb8;
	[tilespmem:$0x10800] =	vst v63  }
0x85: {  	v3 =	vld.msk [tilespmem:$0x1A0], $0xff;
	_ =	sdelay $0x4  }
0x86: {  	v60 =	vshll.u32 v3, $0x1  }
0x87: {  	v3 =	vand.u32 $0x7, v3;
	v4 =	vand.u32 $0xFFFFFFF0, v60  }
0x88: {  	v3 =	vor.u32 v3, v4  }
0x89: {  	v3 =	vperm.xlane v3, v0;
	_ =	sdelay $0x1  }
0x8a: {  	v3 =	vadd.s32 v1, v3;
	_ =	sdelay $0x3  }
0x8b: {  	s23 =	simm.s32 $0xD800  }
0x8c: {  	[tilespmem:s23], [sflag:$0x4] =	stream.indirect_vreg.gather [hbm4b:s1+s3], $0x80, v3, vm0, $0xb8;
	[tilespmem:$0x10800] =	vst v63  }
0x8d: {  	v3 =	vld [tilespmem:$0x200];
	_ =	sdelay $0x4  }
0x8e: {  	v61 =	vshll.u32 v3, $0x1  }
0x8f: {  	v3 =	vand.u32 $0x7, v3;
	v4 =	vand.u32 $0xFFFFFFF0, v61  }
0x90: {  	v3 =	vor.u32 v3, v4  }
0x91: {  	v4 =	vperm.xlane v3, v0;
	_ =	sdelay $0x1  }
0x92: {  	v3 =	vperm.xlane v3, v2;
	v4 =	vadd.s32 v1, v4;
	_ =	sdelay $0x1  }
0x93: {  	v3 =	vadd.s32 v1, v3;
	_ =	sdelay $0x2  }
0x94: {  	[tilespmem:s0], [sflag:$0x5] =	stream.indirect_vreg.gather [hbm4b:s1+s3], $0x80, v4, vm0, $0xb8;
	[tilespmem:$0x10800] =	vst v63  }
0x95: {  	s24 =	simm.s32 $0xE800  }
0x96: {  	[tilespmem:s24], [sflag:$0x5] =	stream.indirect_vreg.gather [hbm4b:s1+s3], $0x80, v3, vm0, $0xb8;
	[tilespmem:$0x10800] =	vst v63  }
0x97: {  	v3 =	vld [tilespmem:$0x210];
	_ =	sdelay $0x4  }
0x98: {  	v62 =	vshll.u32 v3, $0x1  }
0x99: {  	v3 =	vand.u32 $0x7, v3;
	v4 =	vand.u32 $0xFFFFFFF0, v62  }
0x9a: {  	v3 =	vor.u32 v3, v4  }
0x9b: {  	v4 =	vperm.xlane v3, v0;
	_ =	sdelay $0x1  }
0x9c: {  	v3 =	vperm.xlane v3, v2;
	v4 =	vadd.s32 v1, v4;
	_ =	sdelay $0x1  }
0x9d: {  	v3 =	vadd.s32 v1, v3;
	_ =	sdelay $0x1  }
0x9e: {  	s25 =	simm.s32 $0xF000  }
0x9f: {  	[tilespmem:s25], [sflag:$0x5] =	stream.indirect_vreg.gather [hbm4b:s1+s3], $0x80, v4, vm0, $0xb8;
	[tilespmem:$0x10800] =	vst v63  }
0xa0: {  	s26 =	simm.s32 $0xF800  }
0xa1: {  	[tilespmem:s26], [sflag:$0x5] =	stream.indirect_vreg.gather [hbm4b:s1+s3], $0x80, v3, vm0, $0xb8;
	[tilespmem:$0x10800] =	vst v63  }
0xa2: {  	v3 =	vld.msk [tilespmem:$0x220], $0xff;
	_ =	sdelay $0x4  }
0xa3: {  	v63 =	vshll.u32 v3, $0x1  }
0xa4: {  	v3 =	vand.u32 $0x7, v3;
	v4 =	vand.u32 $0xFFFFFFF0, v63  }
0xa5: {  	v3 =	vor.u32 v3, v4  }
0xa6: {  	v3 =	vperm.xlane v3, v0;
	_ =	sdelay $0x1  }
0xa7: {  	v3 =	vadd.s32 v1, v3  }
0xa8: {  	s20 =	simm.s32 $0x4A0;
	s29 =	simm.s32 $0x7000  }
0xa9: {  	s30 =	simm.s32 $0x10000;
	s31 =	simm.s32 $0x8000;
	s4 =	simm.s32 $0x9800  }
0xaa: {  	s5 =	simm.s32 $0xA000;
	s6 =	simm.s32 $0xA800;
	s7 =	simm.s32 $0xB000  }
0xab: {  	s12 =	simm.s32 $0xC000;
	s21 =	simm.s32 $0x0;
	s25 =	simm.s32 $0x5800  }
0xac: {  	[tilespmem:s30], [sflag:$0x5] =	stream.indirect_vreg.gather [hbm4b:s1+s3], $0x80, v3, vm0, $0xb8;
	[tilespmem:$0x10800] =	vst v63  }
.LBB2_2:
0xad: {  	_ =	swait.ge [sflag:s8], $0x2800  }
0xae: {  	s23 =	rddreg [dreg:$0x4];
	[sflag:s8] =	ssyncset.done $0x0  }
0xaf: {  	s22 =	simm.s32 $0x4000;
	[sflag:s8] =	ssyncadd.s32 $0xFFFFD800;
	s23 =	sadd.s32 s21, s23  }
0xb0: {  	[hbm4b:s23+s3] =	stream.linear.scatter [tilespmem:s22], [sflag:$0x6], $0x2800, $0x38;
	[tilespmem:$0x10800] =	vst v63  }
0xb1: {  	_ =	swait.ge [sflag:s9], $0x2800  }
0xb2: {  	[sflag:s9] =	ssyncset.done $0x0  }
0xb3: {  	s2 =	simm.s32 $0x6800;
	s24 =	sadd.s32 $0x500, s23;
	[sflag:s9] =	ssyncadd.s32 $0xFFFFD800  }
0xb4: {  	[hbm4b:s24+s3] =	stream.linear.scatter [tilespmem:s2], [sflag:$0x7], $0x2800, $0x38;
	[tilespmem:$0x10800] =	vst v63  }
0xb5: {  	_ =	swait.ge [sflag:s10], $0x2800  }
0xb6: {  	[sflag:s10] =	ssyncset.done $0x0  }
0xb7: {  	s26 =	simm.s32 $0x9000;
	s17 =	sadd.s32 $0xA00, s23;
	[sflag:s10] =	ssyncadd.s32 $0xFFFFD800  }
0xb8: {  	[hbm4b:s17+s3] =	stream.linear.scatter [tilespmem:s26], [sflag:$0x8], $0x2800, $0x38;
	[tilespmem:$0x10800] =	vst v63  }
0xb9: {  	_ =	swait.ge [sflag:s11], $0x2800  }
0xba: {  	[sflag:s11] =	ssyncset.done $0x0  }
0xbb: {  	s17 =	sadd.s32 $0xF00, s23;
	[sflag:s11] =	ssyncadd.s32 $0xFFFFD800  }
0xbc: {  	[hbm4b:s17+s3] =	stream.linear.scatter [tilespmem:s28], [sflag:$0x9], $0x2800, $0x38;
	[tilespmem:$0x10800] =	vst v63  }
0xbd: {  	_ =	swait.ge [sflag:s13], $0x2800  }
0xbe: {  	[sflag:s13] =	ssyncset.done $0x0  }
0xbf: {  	s23 =	sadd.s32 $0x1400, s23;
	[sflag:s13] =	ssyncadd.s32 $0xFFFFD800  }
0xc0: {  	[hbm4b:s23+s3] =	stream.linear.scatter [tilespmem:s0], [sflag:$0xA], $0x2800, $0x38;
	[tilespmem:$0x10800] =	vst v63  }
0xc1: {  	_ =	swait.ge [sflag:s14], $0x2800  }
0xc2: {  	[sflag:s14] =	ssyncset.done $0x0  }
0xc3: {  	[sflag:s14] =	ssyncadd.s32 $0xFFFFD800  }
0xc4: {  	v3 =	vld [tilespmem:s20+$0xFFFFFDE0];
	_ =	sdelay $0x4  }
0xc5: {  	v4 =	vshll.u32 v3, $0x1  }
0xc6: {  	v3 =	vand.u32 $0x7, v3;
	v4 =	vand.u32 $0xFFFFFFF0, v4  }
0xc7: {  	v3 =	vor.u32 v3, v4  }
0xc8: {  	v4 =	vperm.xlane v3, v0;
	_ =	sdelay $0x1  }
0xc9: {  	v3 =	vperm.xlane v3, v2;
	v4 =	vadd.s32 v1, v4;
	_ =	sdelay $0x1  }
0xca: {  	v3 =	vadd.s32 v1, v3;
	_ =	sdelay $0x2  }
0xcb: {  	[tilespmem:s22], [sflag:$0x1] =	stream.indirect_vreg.gather [hbm4b:s1+s3], $0x80, v4, vm0, $0xb8;
	[tilespmem:$0x10800] =	vst v63  }
0xcc: {  	s23 =	simm.s32 $0x4800  }
0xcd: {  	[tilespmem:s23], [sflag:$0x1] =	stream.indirect_vreg.gather [hbm4b:s1+s3], $0x80, v3, vm0, $0xb8;
	[tilespmem:$0x10800] =	vst v63  }
0xce: {  	v3 =	vld [tilespmem:s20+$0xFFFFFDF0];
	_ =	sdelay $0x4  }
0xcf: {  	v50 =	vshll.u32 v3, $0x1  }
0xd0: {  	v3 =	vand.u32 $0x7, v3;
	v4 =	vand.u32 $0xFFFFFFF0, v50  }
0xd1: {  	v3 =	vor.u32 v3, v4  }
0xd2: {  	v4 =	vperm.xlane v3, v0;
	_ =	sdelay $0x1  }
0xd3: {  	v3 =	vperm.xlane v3, v2;
	v4 =	vadd.s32 v1, v4;
	_ =	sdelay $0x1  }
0xd4: {  	v3 =	vadd.s32 v1, v3;
	_ =	sdelay $0x1  }
0xd5: {  	s24 =	simm.s32 $0x5000  }
0xd6: {  	[tilespmem:s24], [sflag:$0x1] =	stream.indirect_vreg.gather [hbm4b:s1+s3], $0x80, v4, vm0, $0xb8;
	[tilespmem:$0x10800] =	vst v63  }
0xd7: {  	_ = 	snop  }
0xd8: {  	[tilespmem:s25], [sflag:$0x1] =	stream.indirect_vreg.gather [hbm4b:s1+s3], $0x80, v3, vm0, $0xb8;
	[tilespmem:$0x10800] =	vst v63  }
0xd9: {  	v3 =	vld.msk [tilespmem:s20+$0xFFFFFE00], $0xff;
	_ =	sdelay $0x4  }
0xda: {  	v51 =	vshll.u32 v3, $0x1  }
0xdb: {  	v3 =	vand.u32 $0x7, v3;
	v4 =	vand.u32 $0xFFFFFFF0, v51  }
0xdc: {  	v3 =	vor.u32 v3, v4  }
0xdd: {  	v3 =	vperm.xlane v3, v0;
	_ =	sdelay $0x1  }
0xde: {  	v3 =	vadd.s32 v1, v3;
	_ =	sdelay $0x3  }
0xdf: {  	s22 =	simm.s32 $0x6000  }
0xe0: {  	[tilespmem:s22], [sflag:$0x1] =	stream.indirect_vreg.gather [hbm4b:s1+s3], $0x80, v3, vm0, $0xb8;
	[tilespmem:$0x10800] =	vst v63  }
0xe1: {  	_ =	swait.ge [sflag:s15], $0x2800  }
0xe2: {  	[sflag:s15] =	ssyncset.done $0x0  }
0xe3: {  	[sflag:s15] =	ssyncadd.s32 $0xFFFFD800  }
0xe4: {  	v3 =	vld [tilespmem:s20+$0xFFFFFE60];
	_ =	sdelay $0x4  }
0xe5: {  	v52 =	vshll.u32 v3, $0x1  }
0xe6: {  	v3 =	vand.u32 $0x7, v3;
	v4 =	vand.u32 $0xFFFFFFF0, v52  }
0xe7: {  	v3 =	vor.u32 v3, v4  }
0xe8: {  	v4 =	vperm.xlane v3, v0;
	_ =	sdelay $0x1  }
0xe9: {  	v3 =	vperm.xlane v3, v2;
	v4 =	vadd.s32 v1, v4;
	_ =	sdelay $0x1  }
0xea: {  	v3 =	vadd.s32 v1, v3;
	_ =	sdelay $0x2  }
0xeb: {  	[tilespmem:s2], [sflag:$0x2] =	stream.indirect_vreg.gather [hbm4b:s1+s3], $0x80, v4, vm0, $0xb8;
	[tilespmem:$0x10800] =	vst v63  }
0xec: {  	_ = 	snop  }
0xed: {  	[tilespmem:s29], [sflag:$0x2] =	stream.indirect_vreg.gather [hbm4b:s1+s3], $0x80, v3, vm0, $0xb8;
	[tilespmem:$0x10800] =	vst v63  }
0xee: {  	v3 =	vld [tilespmem:s20+$0xFFFFFE70];
	_ =	sdelay $0x4  }
0xef: {  	v53 =	vshll.u32 v3, $0x1  }
0xf0: {  	v3 =	vand.u32 $0x7, v3;
	v4 =	vand.u32 $0xFFFFFFF0, v53  }
0xf1: {  	v3 =	vor.u32 v3, v4  }
0xf2: {  	v4 =	vperm.xlane v3, v0;
	_ =	sdelay $0x1  }
0xf3: {  	v3 =	vperm.xlane v3, v2;
	v4 =	vadd.s32 v1, v4;
	_ =	sdelay $0x1  }
0xf4: {  	v3 =	vadd.s32 v1, v3;
	_ =	sdelay $0x1  }
0xf5: {  	s2 =	simm.s32 $0x7800  }
0xf6: {  	[tilespmem:s2], [sflag:$0x2] =	stream.indirect_vreg.gather [hbm4b:s1+s3], $0x80, v4, vm0, $0xb8;
	[tilespmem:$0x10800] =	vst v63  }
0xf7: {  	_ = 	snop  }
0xf8: {  	[tilespmem:s31], [sflag:$0x2] =	stream.indirect_vreg.gather [hbm4b:s1+s3], $0x80, v3, vm0, $0xb8;
	[tilespmem:$0x10800] =	vst v63  }
0xf9: {  	v3 =	vld.msk [tilespmem:s20+$0xFFFFFE80], $0xff;
	_ =	sdelay $0x4  }
0xfa: {  	v54 =	vshll.u32 v3, $0x1  }
0xfb: {  	v3 =	vand.u32 $0x7, v3;
	v4 =	vand.u32 $0xFFFFFFF0, v54  }
0xfc: {  	v3 =	vor.u32 v3, v4  }
0xfd: {  	v3 =	vperm.xlane v3, v0;
	_ =	sdelay $0x1  }
0xfe: {  	v3 =	vadd.s32 v1, v3;
	_ =	sdelay $0x3  }
0xff: {  	s2 =	simm.s32 $0x8800  }
0x100: {  	[tilespmem:s2], [sflag:$0x2] =	stream.indirect_vreg.gather [hbm4b:s1+s3], $0x80, v3, vm0, $0xb8;
	[tilespmem:$0x10800] =	vst v63  }
0x101: {  	_ =	swait.ge [sflag:s16], $0x2800  }
0x102: {  	[sflag:s16] =	ssyncset.done $0x0  }
0x103: {  	[sflag:s16] =	ssyncadd.s32 $0xFFFFD800  }
0x104: {  	v3 =	vld [tilespmem:s20+$0xFFFFFEE0];
	_ =	sdelay $0x4  }
0x105: {  	v55 =	vshll.u32 v3, $0x1  }
0x106: {  	v3 =	vand.u32 $0x7, v3;
	v4 =	vand.u32 $0xFFFFFFF0, v55  }
0x107: {  	v3 =	vor.u32 v3, v4  }
0x108: {  	v4 =	vperm.xlane v3, v0;
	_ =	sdelay $0x1  }
0x109: {  	v3 =	vperm.xlane v3, v2;
	v4 =	vadd.s32 v1, v4;
	_ =	sdelay $0x1  }
0x10a: {  	v3 =	vadd.s32 v1, v3;
	_ =	sdelay $0x2  }
0x10b: {  	[tilespmem:s26], [sflag:$0x3] =	stream.indirect_vreg.gather [hbm4b:s1+s3], $0x80, v4, vm0, $0xb8;
	[tilespmem:$0x10800] =	vst v63  }
0x10c: {  	_ = 	snop  }
0x10d: {  	[tilespmem:s4], [sflag:$0x3] =	stream.indirect_vreg.gather [hbm4b:s1+s3], $0x80, v3, vm0, $0xb8;
	[tilespmem:$0x10800] =	vst v63  }
0x10e: {  	v3 =	vld [tilespmem:s20+$0xFFFFFEF0];
	_ =	sdelay $0x4  }
0x10f: {  	v56 =	vshll.u32 v3, $0x1  }
0x110: {  	v3 =	vand.u32 $0x7, v3;
	v4 =	vand.u32 $0xFFFFFFF0, v56  }
0x111: {  	v3 =	vor.u32 v3, v4  }
0x112: {  	v4 =	vperm.xlane v3, v0;
	_ =	sdelay $0x1  }
0x113: {  	v3 =	vperm.xlane v3, v2;
	v4 =	vadd.s32 v1, v4;
	_ =	sdelay $0x1  }
0x114: {  	v3 =	vadd.s32 v1, v3;
	_ =	sdelay $0x2  }
0x115: {  	[tilespmem:s5], [sflag:$0x3] =	stream.indirect_vreg.gather [hbm4b:s1+s3], $0x80, v4, vm0, $0xb8;
	[tilespmem:$0x10800] =	vst v63  }
0x116: {  	_ = 	snop  }
0x117: {  	[tilespmem:s6], [sflag:$0x3] =	stream.indirect_vreg.gather [hbm4b:s1+s3], $0x80, v3, vm0, $0xb8;
	[tilespmem:$0x10800] =	vst v63  }
0x118: {  	v3 =	vld.msk [tilespmem:s20+$0xFFFFFF00], $0xff;
	_ =	sdelay $0x4  }
0x119: {  	v57 =	vshll.u32 v3, $0x1  }
0x11a: {  	v3 =	vand.u32 $0x7, v3;
	v4 =	vand.u32 $0xFFFFFFF0, v57  }
0x11b: {  	v3 =	vor.u32 v3, v4  }
0x11c: {  	v3 =	vperm.xlane v3, v0;
	_ =	sdelay $0x1  }
0x11d: {  	v3 =	vadd.s32 v1, v3;
	_ =	sdelay $0x4  }
0x11e: {  	[tilespmem:s7], [sflag:$0x3] =	stream.indirect_vreg.gather [hbm4b:s1+s3], $0x80, v3, vm0, $0xb8;
	[tilespmem:$0x10800] =	vst v63  }
0x11f: {  	_ =	swait.ge [sflag:s18], $0x2800  }
0x120: {  	[sflag:s18] =	ssyncset.done $0x0  }
0x121: {  	[sflag:s18] =	ssyncadd.s32 $0xFFFFD800  }
0x122: {  	v3 =	vld [tilespmem:s20+$0xFFFFFF60];
	_ =	sdelay $0x4  }
0x123: {  	v58 =	vshll.u32 v3, $0x1  }
0x124: {  	v3 =	vand.u32 $0x7, v3;
	v4 =	vand.u32 $0xFFFFFFF0, v58  }
0x125: {  	v3 =	vor.u32 v3, v4  }
0x126: {  	v4 =	vperm.xlane v3, v0;
	_ =	sdelay $0x1  }
0x127: {  	v3 =	vperm.xlane v3, v2;
	v4 =	vadd.s32 v1, v4;
	_ =	sdelay $0x1  }
0x128: {  	v3 =	vadd.s32 v1, v3;
	_ =	sdelay $0x2  }
0x129: {  	[tilespmem:s28], [sflag:$0x4] =	stream.indirect_vreg.gather [hbm4b:s1+s3], $0x80, v4, vm0, $0xb8;
	[tilespmem:$0x10800] =	vst v63  }
0x12a: {  	_ = 	snop  }
0x12b: {  	[tilespmem:s12], [sflag:$0x4] =	stream.indirect_vreg.gather [hbm4b:s1+s3], $0x80, v3, vm0, $0xb8;
	[tilespmem:$0x10800] =	vst v63  }
0x12c: {  	v3 =	vld [tilespmem:s20+$0xFFFFFF70];
	_ =	sdelay $0x4  }
0x12d: {  	v59 =	vshll.u32 v3, $0x1  }
0x12e: {  	v3 =	vand.u32 $0x7, v3;
	v4 =	vand.u32 $0xFFFFFFF0, v59  }
0x12f: {  	v3 =	vor.u32 v3, v4  }
0x130: {  	v4 =	vperm.xlane v3, v0;
	_ =	sdelay $0x1  }
0x131: {  	v3 =	vperm.xlane v3, v2;
	v4 =	vadd.s32 v1, v4;
	_ =	sdelay $0x1  }
0x132: {  	v3 =	vadd.s32 v1, v3;
	_ =	sdelay $0x1  }
0x133: {  	s26 =	simm.s32 $0xC800  }
0x134: {  	[tilespmem:s26], [sflag:$0x4] =	stream.indirect_vreg.gather [hbm4b:s1+s3], $0x80, v4, vm0, $0xb8;
	[tilespmem:$0x10800] =	vst v63  }
0x135: {  	s26 =	simm.s32 $0xD000  }
0x136: {  	[tilespmem:s26], [sflag:$0x4] =	stream.indirect_vreg.gather [hbm4b:s1+s3], $0x80, v3, vm0, $0xb8;
	[tilespmem:$0x10800] =	vst v63  }
0x137: {  	v3 =	vld.msk [tilespmem:s20+$0xFFFFFF80], $0xff;
	_ =	sdelay $0x4  }
0x138: {  	v60 =	vshll.u32 v3, $0x1  }
0x139: {  	v3 =	vand.u32 $0x7, v3;
	v4 =	vand.u32 $0xFFFFFFF0, v60  }
0x13a: {  	v3 =	vor.u32 v3, v4  }
0x13b: {  	v3 =	vperm.xlane v3, v0;
	_ =	sdelay $0x1  }
0x13c: {  	v3 =	vadd.s32 v1, v3;
	_ =	sdelay $0x3  }
0x13d: {  	s26 =	simm.s32 $0xD800  }
0x13e: {  	[tilespmem:s26], [sflag:$0x4] =	stream.indirect_vreg.gather [hbm4b:s1+s3], $0x80, v3, vm0, $0xb8;
	[tilespmem:$0x10800] =	vst v63  }
0x13f: {  	_ =	swait.ge [sflag:s19], $0x2800  }
0x140: {  	[sflag:s19] =	ssyncset.done $0x0  }
0x141: {  	[sflag:s19] =	ssyncadd.s32 $0xFFFFD800  }
0x142: {  	v3 =	vld [tilespmem:s20+$0xFFFFFFE0];
	_ =	sdelay $0x4  }
0x143: {  	v61 =	vshll.u32 v3, $0x1  }
0x144: {  	v3 =	vand.u32 $0x7, v3;
	v4 =	vand.u32 $0xFFFFFFF0, v61  }
0x145: {  	v3 =	vor.u32 v3, v4  }
0x146: {  	v4 =	vperm.xlane v3, v0;
	_ =	sdelay $0x1  }
0x147: {  	v3 =	vperm.xlane v3, v2;
	v4 =	vadd.s32 v1, v4;
	_ =	sdelay $0x1  }
0x148: {  	v3 =	vadd.s32 v1, v3;
	_ =	sdelay $0x2  }
0x149: {  	[tilespmem:s0], [sflag:$0x5] =	stream.indirect_vreg.gather [hbm4b:s1+s3], $0x80, v4, vm0, $0xb8;
	[tilespmem:$0x10800] =	vst v63  }
0x14a: {  	s26 =	simm.s32 $0xE800  }
0x14b: {  	[tilespmem:s26], [sflag:$0x5] =	stream.indirect_vreg.gather [hbm4b:s1+s3], $0x80, v3, vm0, $0xb8;
	[tilespmem:$0x10800] =	vst v63  }
0x14c: {  	v3 =	vld [tilespmem:s20+$0xFFFFFFF0];
	_ =	sdelay $0x4  }
0x14d: {  	v62 =	vshll.u32 v3, $0x1  }
0x14e: {  	v3 =	vand.u32 $0x7, v3;
	v4 =	vand.u32 $0xFFFFFFF0, v62  }
0x14f: {  	v3 =	vor.u32 v3, v4  }
0x150: {  	v4 =	vperm.xlane v3, v0;
	_ =	sdelay $0x1  }
0x151: {  	v3 =	vperm.xlane v3, v2;
	v4 =	vadd.s32 v1, v4;
	_ =	sdelay $0x1  }
0x152: {  	v3 =	vadd.s32 v1, v3;
	_ =	sdelay $0x1  }
0x153: {  	s26 =	simm.s32 $0xF000  }
0x154: {  	[tilespmem:s26], [sflag:$0x5] =	stream.indirect_vreg.gather [hbm4b:s1+s3], $0x80, v4, vm0, $0xb8;
	[tilespmem:$0x10800] =	vst v63  }
0x155: {  	s26 =	simm.s32 $0xF800  }
0x156: {  	[tilespmem:s26], [sflag:$0x5] =	stream.indirect_vreg.gather [hbm4b:s1+s3], $0x80, v3, vm0, $0xb8;
	[tilespmem:$0x10800] =	vst v63  }
0x157: {  	v3 =	vld.msk [tilespmem:s20+$0x0], $0xff;
	_ =	sdelay $0x4  }
0x158: {  	v63 =	vshll.u32 v3, $0x1  }
0x159: {  	v3 =	vand.u32 $0x7, v3;
	v4 =	vand.u32 $0xFFFFFFF0, v63  }
0x15a: {  	v3 =	vor.u32 v3, v4  }
0x15b: {  	v3 =	vperm.xlane v3, v0;
	_ =	sdelay $0x1  }
0x15c: {  	p0 =	sne.s32 s21, $0x23F00;
	v3 =	vadd.s32 v1, v3  }
.Ltmp0:
0x15d: {  	_ = 	snop;
	(pc) =	sbr.rel @p0 .LBB2_2-.Ltmp0, $4  }
0x15e: {  	_ = 	snop  }
0x15f: {  	s21 =	sadd.s32 $0x1900, s21;
	s17 =	simm.s32 $0x4000  }
0x160: {  	s22 =	simm.s32 $0x6800;
	s2 =	simm.s32 $0x9000;
	s20 =	sadd.s32 $0x280, s20  }
0x161: {  	[tilespmem:s30], [sflag:$0x5] =	stream.indirect_vreg.gather [hbm4b:s1+s3], $0x80, v3, vm0, $0xb8;
	[tilespmem:$0x10800] =	vst v63  }
0x162: {  	_ =	swait.ge [sflag:s8], $0x2800  }
0x163: {  	[sflag:s8] =	ssyncset.done $0x0  }
0x164: {  	s20 =	rddreg [dreg:$0x6];
	[sflag:s8] =	ssyncadd.s32 $0xFFFFD800  }
0x165: {  	[hbm4b:s20+s3] =	stream.linear.scatter [tilespmem:s17], [sflag:$0x6], $0x2800, $0x38;
	[tilespmem:$0x10800] =	vst v63  }
0x166: {  	_ =	swait.ge [sflag:s9], $0x2800  }
0x167: {  	[sflag:s9] =	ssyncset.done $0x0  }
0x168: {  	s7 =	rddreg [dreg:$0x7];
	[sflag:s9] =	ssyncadd.s32 $0xFFFFD800  }
0x169: {  	[hbm4b:s7+s3] =	stream.linear.scatter [tilespmem:s22], [sflag:$0x7], $0x2800, $0x38;
	[tilespmem:$0x10800] =	vst v63  }
0x16a: {  	_ =	swait.ge [sflag:s10], $0x2800  }
0x16b: {  	[sflag:s10] =	ssyncset.done $0x0  }
0x16c: {  	s12 =	rddreg [dreg:$0x8];
	[sflag:s10] =	ssyncadd.s32 $0xFFFFD800  }
0x16d: {  	[hbm4b:s12+s3] =	stream.linear.scatter [tilespmem:s2], [sflag:$0x8], $0x2800, $0x38;
	[tilespmem:$0x10800] =	vst v63  }
0x16e: {  	_ =	swait.ge [sflag:s11], $0x2800  }
0x16f: {  	[sflag:s11] =	ssyncset.done $0x0  }
0x170: {  	s21 =	rddreg [dreg:$0x9];
	[sflag:s11] =	ssyncadd.s32 $0xFFFFD800  }
0x171: {  	[hbm4b:s21+s3] =	stream.linear.scatter [tilespmem:s28], [sflag:$0x9], $0x2800, $0x38;
	[tilespmem:$0x10800] =	vst v63  }
0x172: {  	_ =	swait.ge [sflag:s13], $0x2800  }
0x173: {  	[sflag:s13] =	ssyncset.done $0x0  }
0x174: {  	s25 =	rddreg [dreg:$0xa];
	[sflag:s13] =	ssyncadd.s32 $0xFFFFD800  }
0x175: {  	[hbm4b:s25+s3] =	stream.linear.scatter [tilespmem:s0], [sflag:$0xA], $0x2800, $0x38;
	[tilespmem:$0x10800] =	vst v63  }
0x176: {  	_ =	swait.ge [sflag:s14], $0x2800  }
0x177: {  	[sflag:s14] =	ssyncset.done $0x0  }
0x178: {  	[sflag:s14] =	ssyncadd.s32 $0xFFFFD800  }
0x179: {  	_ =	swait.ge [sflag:s15], $0x2800  }
0x17a: {  	[sflag:s15] =	ssyncset.done $0x0  }
0x17b: {  	[sflag:s15] =	ssyncadd.s32 $0xFFFFD800  }
0x17c: {  	_ =	swait.ge [sflag:s16], $0x2800  }
0x17d: {  	[sflag:s16] =	ssyncset.done $0x0  }
0x17e: {  	[sflag:s16] =	ssyncadd.s32 $0xFFFFD800  }
0x17f: {  	_ =	swait.ge [sflag:s18], $0x2800  }
0x180: {  	[sflag:s18] =	ssyncset.done $0x0  }
0x181: {  	[sflag:s18] =	ssyncadd.s32 $0xFFFFD800  }
0x182: {  	_ =	swait.ge [sflag:s19], $0x2800  }
0x183: {  	s4 =	rddreg [dreg:$0xc]  }
0x184: {  	s26 =	rddreg [dreg:$0xb];
	s4 =	sadd.s32 $0x1, s4  }
0x185: {  	p0 =	sne.s32 s4, s26  }
.Ltmp1:
0x186: {  	s29 =	simm.s32 $0x7800;
	s30 =	simm.s32 $0x8000;
	(pc) =	sbr.rel @p0 .LBB2_1-.Ltmp1, $4  }
0x187: {  	s31 =	simm.s32 $0x8800;
	s5 =	simm.s32 $0xA000;
	s6 =	simm.s32 $0xA800  }
0x188: {  	s7 =	simm.s32 $0xB000;
	s12 =	simm.s32 $0xC000;
	[sflag:s19] =	ssyncset.done $0x0  }
0x189: {  	s21 =	simm.s32 $0x5800;
	s25 =	simm.s32 $0x6000;
	[sflag:s19] =	ssyncadd.s32 $0xFFFFD800  }
0x18a: {  	[dreg:$0xc] =	wrdreg s4;
	s26 =	simm.s32 $0x7000;
	s4 =	simm.s32 $0x9800  }
0x18b: {  	_ =	sfence.sel $0x180000  }
0x18c: {  	[bflag:$0x0] =	sbarrier.arrive $0xFFFF  }
0x18d: {  	_ =	strace $0x90000047  }
0x18e: {  	s0 =	stileid.u32;
	[bflag:$0x2] =	sbarrier.arrive $0xFFFF  }
0x18f: {  	p0 =	sne.s32 s0, $0x0;
	s0 =	rddreg [dreg:$0x3]  }
0x190: {  	s0 =	sadd.s32 @!p0 $0x100000, s0  }
0x191: {  	[sflag:s0] =	ssyncadd.tile.s32 @!p0 $0x1;
	_ =	shalt  }
.Lfunc_end2:
_tile_overlayer_lowered:
.L_overlay_start_2:
0x192: {  	(tag) =	ssettag $0x2  }
0x193: {  	s0 =	rddreg [dreg:$0x0];
	s2 =	stileid.u32  }
0x194: {  	s1 =	rddreg [dreg:$0x1];
	p0 =	sne.s32 s2, $0x0  }
0x195: {  	s3 =	rddreg [dreg:$0x2];
	[bflag:$0x3] =	sbarrier.arrive $0xFFFF;
	s2 =	simm.s32 @!p0 $0x1C0B  }
0x196: {  	[timem:s3], [sflag:s2] =	dma.local @!p0 [hbm:s0], s1  }
0x197: {  	s0 =	simm.s32 @!p0 $0xB  }
0x198: {  	_ =	swait.ge @!p0 [sflag:s0], s1  }
0x199: {  	s1 =	ssub.s32 @!p0 $0x0, s1;
	[sflag:s0] =	ssyncset.done @!p0 $0x0  }
0x19a: {  	[sflag:s0] =	ssyncadd.s32 @!p0 s1  }
0x19b: {  	[bflag:$0x3] =	sbarrier.arrive $0xFFFF  }
0x19c: {  	_ =	shalt  }

</sc_bundles>
